<compile_context>
chip_gen: v7x
topology: tpu7x:2x2x1
jax: 0.10.2.dev20260603
libtpu: 0.0.44.dev20260713+nightly
codegen_flags: <defaults>
</compile_context>

<pallas_src>
import functools

import jax
import jax.numpy as jnp
from jax import lax
from jax.experimental import pallas as pl
from jax.experimental.pallas import tpu as pltpu
from jax.experimental.pallas import tpu_sc as plsc

BLK = 256
SCORE_BLK = 2048
CP = 128


def _score_route_body(x_ref, w_ref, b_ref, xp_ref, dest_ref, eid_ref,
                      s2d_ref):
    bidx = pl.program_id(0)
    nsteps = pl.num_programs(0)
    xv = x_ref[...]
    st = lax.dot_general(
        w_ref[...], xv, (((0,), (1,)), ((), ())),
        preferred_element_type=jnp.float32,
    )
    rows_per_step = SCORE_BLK // 128
    s2d_ref[pl.ds(bidx * rows_per_step, rows_per_step)] = (
        st.reshape(rows_per_step, 128) + b_ref[0]
    )

    d = xv.shape[1]
    xb = xv.astype(jnp.bfloat16)
    lo = pltpu.bitcast(xb[:, : d // 2], jnp.uint16).astype(jnp.uint32)
    hi = pltpu.bitcast(xb[:, d // 2 :], jnp.uint16).astype(jnp.uint32)
    xp_ref[...] = pltpu.bitcast(lo | (hi << 16), jnp.int32)

    @pl.when(bidx == nsteps - 1)
    def _route():
        rows, lanes = s2d_ref.shape
        pred = s2d_ref[...] > 0.0
        t = pred.astype(jnp.float32)
        ju = lax.broadcasted_iota(jnp.int32, (lanes, lanes), 0)
        ku = lax.broadcasted_iota(jnp.int32, (lanes, lanes), 1)
        su = (ju < ku).astype(jnp.float32)
        ones = jnp.ones((lanes, lanes), jnp.float32)
        excl_row = jnp.dot(t, su, preferred_element_type=jnp.float32)
        rowsum = jnp.dot(t, ones, preferred_element_type=jnp.float32)
        jl = lax.broadcasted_iota(jnp.int32, (rows, rows), 0)
        kl = lax.broadcasted_iota(jnp.int32, (rows, rows), 1)
        slo = (kl < jl).astype(jnp.float32)
        offs = jnp.dot(slo, rowsum, preferred_element_type=jnp.float32)
        excl = excl_row + offs
        n_ap = jnp.sum(t)
        a = jnp.ceil(n_ap / BLK) * BLK
        gi = (
            lax.broadcasted_iota(jnp.int32, (rows, lanes), 0) * lanes
            + lax.broadcasted_iota(jnp.int32, (rows, lanes), 1)
        ).astype(jnp.float32)
        dest = jnp.where(pred, excl, a + gi - excl)
        dest_ref[...] = dest.astype(jnp.int32)
        blk = lax.broadcasted_iota(jnp.int32, eid_ref.shape, 1).astype(
            jnp.float32
        )
        eid_ref[...] = (blk * BLK >= a).astype(jnp.int32)


def _scores_route(x, W_cls, b_cls, nb):
    n, d = x.shape
    return pl.pallas_call(
        _score_route_body,
        grid=(n // SCORE_BLK,),
        in_specs=[
            pl.BlockSpec((SCORE_BLK, d), lambda b: (b, 0)),
            pl.BlockSpec((d, 1), lambda b: (0, 0)),
            pl.BlockSpec(memory_space=pltpu.SMEM),
        ],
        out_specs=(
            pl.BlockSpec((SCORE_BLK, d // 2), lambda b: (b, 0)),
            pl.BlockSpec((n // 128, 128), lambda b: (0, 0)),
            pl.BlockSpec((1, nb), lambda b: (0, 0)),
        ),
        out_shape=(
            jax.ShapeDtypeStruct((n, d // 2), jnp.int32),
            jax.ShapeDtypeStruct((n // 128, 128), jnp.int32),
            jax.ShapeDtypeStruct((1, nb), jnp.int32),
        ),
        scratch_shapes=[pltpu.VMEM((n // 128, 128), jnp.float32)],
    )(x, W_cls, b_cls)


def _dispatch(xp, dest2d, npad):
    n, dp = xp.shape
    info = plsc.get_sparse_core_info()
    nw = info.num_cores * info.num_subcores
    per_w = n // nw
    ch = 128
    nch = per_w // ch
    mesh = plsc.VectorSubcoreMesh(core_axis_name="c", subcore_axis_name="s")

    @functools.partial(
        pl.kernel,
        mesh=mesh,
        out_type=jax.ShapeDtypeStruct((npad, dp), jnp.int32),
        scratch_types=[
            pltpu.VMEM((ch, dp), jnp.int32),
            pltpu.VMEM((nch, ch), jnp.int32),
            pltpu.SemaphoreType.DMA,
        ],
    )
    def k(x_hbm, dest_hbm, xp_hbm, rows_v, idx_v, sem):
        wid = lax.axis_index("s") * info.num_cores + lax.axis_index("c")
        base = wid * per_w
        pltpu.sync_copy(dest_hbm.at[pl.ds(wid * nch, nch)], idx_v)
        for c in range(nch):
            pltpu.sync_copy(x_hbm.at[pl.ds(base + c * ch, ch)], rows_v)
            pltpu.async_copy(rows_v, xp_hbm.at[idx_v.at[c]], sem).wait()

    return k(xp, dest2d)


def _mlp_body(eid_ref, x_ref, wa1_ref, wp1_ref, b1a_ref, b1p_ref, wa2_ref,
              wp2_ref, b2a_ref, b2p_ref, o_ref, w1_ref, w2_ref):
    b = pl.program_id(0)

    @pl.when(b == 0)
    def _cast_weights():
        w1_ref[0] = wa1_ref[...].astype(jnp.bfloat16)
        w1_ref[1] = wp1_ref[...].astype(jnp.bfloat16)
        cc = wa2_ref.shape[1]
        w2_ref[...] = jnp.zeros_like(w2_ref)
        w2_ref[0, :, :cc] = wa2_ref[...].astype(jnp.bfloat16)
        w2_ref[1, :, :cc] = wp2_ref[...].astype(jnp.bfloat16)

    e = eid_ref[0, b]
    is_ap = e == 0
    pu = pltpu.bitcast(x_ref[...], jnp.uint32)
    lo = pltpu.bitcast((pu & 0xFFFF).astype(jnp.uint16), jnp.bfloat16)
    hi = pltpu.bitcast((pu >> 16).astype(jnp.uint16), jnp.bfloat16)
    xv = jnp.concatenate([lo, hi], axis=1)
    b1 = jnp.where(is_ap, b1a_ref[...], b1p_ref[...])
    h = jnp.maximum(
        jnp.dot(xv, w1_ref[e], preferred_element_type=jnp.float32) + b1,
        0.0,
    )
    c = b2a_ref.shape[1]
    b2c = jnp.where(is_ap, b2a_ref[...], b2p_ref[...])
    b2 = jnp.concatenate(
        [b2c, jnp.zeros((1, CP - c), jnp.float32)], axis=1
    )
    o_ref[...] = (
        jnp.dot(h.astype(jnp.bfloat16), w2_ref[e],
                preferred_element_type=jnp.float32)
        + b2
    )


def _mlp(eid2d, x_perm, W_ap1, W_pa1, b_ap1, b_pa1, W_ap2, W_pa2, b_ap2,
         b_pa2):
    npad, dp = x_perm.shape
    d = dp * 2
    f = W_ap1.shape[1]
    c = W_ap2.shape[1]
    nb = npad // BLK
    grid_spec = pltpu.PrefetchScalarGridSpec(
        num_scalar_prefetch=1,
        grid=(nb,),
        in_specs=[
            pl.BlockSpec((BLK, dp), lambda b, e: (b, 0)),
            pl.BlockSpec((d, f), lambda b, e: (0, 0)),
            pl.BlockSpec((d, f), lambda b, e: (0, 0)),
            pl.BlockSpec((1, f), lambda b, e: (0, 0)),
            pl.BlockSpec((1, f), lambda b, e: (0, 0)),
            pl.BlockSpec((f, c), lambda b, e: (0, 0)),
            pl.BlockSpec((f, c), lambda b, e: (0, 0)),
            pl.BlockSpec((1, c), lambda b, e: (0, 0)),
            pl.BlockSpec((1, c), lambda b, e: (0, 0)),
        ],
        out_specs=pl.BlockSpec((BLK, CP), lambda b, e: (b, 0)),
        scratch_shapes=[
            pltpu.VMEM((2, d, f), jnp.bfloat16),
            pltpu.VMEM((2, f, CP), jnp.bfloat16),
        ],
    )
    return pl.pallas_call(
        _mlp_body,
        grid_spec=grid_spec,
        out_shape=jax.ShapeDtypeStruct((npad, CP), jnp.float32),
        compiler_params=pltpu.CompilerParams(
            dimension_semantics=("arbitrary",)
        ),
    )(eid2d, x_perm, W_ap1, W_pa1, b_ap1.reshape(1, f), b_pa1.reshape(1, f),
      W_ap2, W_pa2, b_ap2.reshape(1, c), b_pa2.reshape(1, c))


def _combine(out_perm, dest2d, n):
    info = plsc.get_sparse_core_info()
    nw = info.num_cores * info.num_subcores
    per_w = n // nw
    mesh = plsc.VectorSubcoreMesh(core_axis_name="c", subcore_axis_name="s")

    @functools.partial(
        pl.kernel,
        mesh=mesh,
        out_type=jax.ShapeDtypeStruct((n, CP), jnp.float32),
        scratch_types=[
            pltpu.VMEM((per_w, CP), jnp.float32),
            pltpu.VMEM((per_w // 128, 128), jnp.int32),
            pltpu.SemaphoreType.DMA,
        ],
    )
    def k(op_hbm, dest_hbm, out_hbm, rows_v, idx_v, sem):
        wid = lax.axis_index("s") * info.num_cores + lax.axis_index("c")
        base = wid * per_w
        pltpu.sync_copy(dest_hbm.at[pl.ds(wid * (per_w // 128), per_w // 128)],
                        idx_v)
        for c in range(per_w // 128):
            pltpu.async_copy(
                op_hbm.at[idx_v.at[c]],
                rows_v.at[pl.ds(c * 128, 128)], sem,
            ).wait()
        pltpu.sync_copy(rows_v, out_hbm.at[pl.ds(base, per_w)])

    return k(out_perm, dest2d)


def kernel(x, W_cls, b_cls, W_ap1, b_ap1, W_ap2, b_ap2, W_pa1, b_pa1, W_pa2, b_pa2):
    n, d = x.shape
    f = W_ap1.shape[1]
    c = W_ap2.shape[1]
    nb = n // BLK + 1
    npad = nb * BLK

    xp, dest2d, eid2d = _scores_route(x, W_cls, b_cls, nb)
    x_perm = _dispatch(xp, dest2d, npad)
    out_perm = _mlp(eid2d, x_perm, W_ap1, W_pa1, b_ap1, b_pa1, W_ap2, W_pa2,
                    b_ap2, b_pa2)
    out = _combine(out_perm, dest2d, n)
    return out[:, :c]

# --- scband reference (transcript-rebuilt; emitter-appended) ---
"""Pipeline reference for scband-two-stage-model-76665166233975 (READ-ONLY COPY).

The authoritative reference and input builder live on the scoring server;
editing this copy changes nothing except your own understanding.
"""

import jax, jax.numpy as jnp
import numpy as np

N, D, F, C = 8192, 1024, 2048, 14

def setup_inputs(seed: int = 0) -> dict:
    key = jax.random.key(seed)
    ks = jax.random.split(key, 10)
    x = jax.random.normal(ks[0], (N, D), dtype=jnp.float32)
    # Stage-1 AP/PA binary classifier (linear probe): D -> 1
    W_cls = jax.random.normal(ks[1], (D, 1), dtype=jnp.float32) * (1.0 / np.sqrt(D))
    b_cls = jnp.zeros((1,), dtype=jnp.float32)
    # Expert AP: 2-layer MLP D -> F -> C
    W_ap1 = jax.random.normal(ks[2], (D, F), dtype=jnp.float32) * (1.0 / np.sqrt(D))
    b_ap1 = jnp.zeros((F,), dtype=jnp.float32)
    W_ap2 = jax.random.normal(ks[3], (F, C), dtype=jnp.float32) * (1.0 / np.sqrt(F))
    b_ap2 = jnp.zeros((C,), dtype=jnp.float32)
    # Expert PA: 2-layer MLP D -> F -> C
    W_pa1 = jax.random.normal(ks[4], (D, F), dtype=jnp.float32) * (1.0 / np.sqrt(D))
    b_pa1 = jnp.zeros((F,), dtype=jnp.float32)
    W_pa2 = jax.random.normal(ks[5], (F, C), dtype=jnp.float32) * (1.0 / np.sqrt(F))
    b_pa2 = jnp.zeros((C,), dtype=jnp.float32)
    return {
        "x": x,
        "W_cls": W_cls, "b_cls": b_cls,
        "W_ap1": W_ap1, "b_ap1": b_ap1, "W_ap2": W_ap2, "b_ap2": b_ap2,
        "W_pa1": W_pa1, "b_pa1": b_pa1, "W_pa2": W_pa2, "b_pa2": b_pa2,
    }

def reference(x, W_cls, b_cls, W_ap1, b_ap1, W_ap2, b_ap2, W_pa1, b_pa1, W_pa2, b_pa2):
    threshold = 0.5
    # Stage 1: route each sample to AP or PA expert
    out_stage_one = x @ W_cls + b_cls            # [N, 1]
    conf = jax.nn.sigmoid(out_stage_one)
    pred = jnp.squeeze(conf > threshold, axis=-1)  # [N] bool, True -> AP expert
    # Stage 2 experts (dense-equivalent of gather -> expert -> scatter back)
    out_ap = jax.nn.relu(x @ W_ap1 + b_ap1) @ W_ap2 + b_ap2  # [N, C]
    out_pa = jax.nn.relu(x @ W_pa1 + b_pa1) @ W_pa2 + b_pa2  # [N, C]
    # output[idx_ap] = out_ap ; output[idx_pa] = out_pa
    output = jnp.where(pred[:, None], out_ap, out_pa)        # [N, C]
    return output

if __name__ == "__main__":
    import jax
    _d = setup_inputs()
    print(jax.jit(kernel)(*tuple(_d.values())))

</pallas_src>

<mosaic_0001>
#map = affine_map<(d0, d1) -> (0, 0)>
module attributes {stable_mosaic.version = 14 : i64} {
  func.func @k(%arg0: i32, %arg1: i32, %arg2: memref<8448x128xf32, #tpu.memory_space<hbm>>, %arg3: memref<64x128xi32, #tpu.memory_space<hbm>>, %arg4: memref<8192x128xf32, #tpu.memory_space<hbm>>, %arg5: memref<256x128xf32, #tpu.memory_space<vmem>>, %arg6: memref<2x128xi32, #tpu.memory_space<vmem>>, %arg7: memref<!tpu.dma_semaphore, #tpu.memory_space<semaphore_mem>>) attributes {dimension_semantics = [#tpu.dimension_semantics<core_parallel>, #tpu.dimension_semantics<subcore_parallel>], iteration_bounds = array<i64: 2, 16>, scalar_prefetch = 0 : i64, scratch_operands = 3 : i64, tpu.core_type = #tpu.core_type<sc_vector_subcore>, window_params = [{transform_indices = #map}, {transform_indices = #map}, {transform_indices = #map}]} {
    %mul3A = arith.constant 2 : i32
    %mul3A_0 = arith.muli %arg1, %mul3A : i32
    %add3A = arith.addi %mul3A_0, %arg0 : i32
    %mul3A_1 = arith.constant 256 : i32
    %mul3A_2 = arith.muli %add3A, %mul3A_1 : i32
    %mul3A_3 = arith.constant 2 : i32
    %mul3A_4 = arith.muli %add3A, %mul3A_3 : i32
    "tpu.region"() ({
      %run_scoped3A = tpu.sem_alloc : memref<!tpu.dma_semaphore, #tpu.memory_space<semaphore_mem>>
      %dma_start3A_43 = arith.constant 0 : i32
      %dma_start3A_44 = tpu.memref_slice %arg3[%mul3A_4, %dma_start3A_43] : memref<64x128xi32, #tpu.memory_space<hbm>> -> memref<2x128xi32, #tpu.memory_space<hbm>>
      %dma_start3A_45 = arith.constant 0 : i32
      %dma_start3A_46 = tpu.memref_slice %arg3[%mul3A_4, %dma_start3A_45] : memref<64x128xi32, #tpu.memory_space<hbm>> -> memref<2x128xi32, #tpu.memory_space<hbm>>
      tpu.enqueue_dma source(%dma_start3A_46 : memref<2x128xi32, #tpu.memory_space<hbm>>) target(%arg6 : memref<2x128xi32, #tpu.memory_space<vmem>>) target_semaphore(%run_scoped3A : memref<!tpu.dma_semaphore, #tpu.memory_space<semaphore_mem>>)
      %dma_wait3A_47 = arith.constant 0 : i32
      %dma_wait3A_48 = tpu.memref_slice %arg3[%mul3A_4, %dma_wait3A_47] : memref<64x128xi32, #tpu.memory_space<hbm>> -> memref<2x128xi32, #tpu.memory_space<hbm>>
      %dma_wait3A_49 = arith.constant 0 : i32
      %dma_wait3A_50 = tpu.memref_slice %arg3[%mul3A_4, %dma_wait3A_49] : memref<64x128xi32, #tpu.memory_space<hbm>> -> memref<2x128xi32, #tpu.memory_space<hbm>>
      tpu.wait_dma2 semaphore(%run_scoped3A : memref<!tpu.dma_semaphore, #tpu.memory_space<semaphore_mem>>) src(%dma_wait3A_50 : memref<2x128xi32, #tpu.memory_space<hbm>>) dst(%arg6 : memref<2x128xi32, #tpu.memory_space<vmem>>)
      tpu.yield
    }) : () -> ()
    %dma_start3A = arith.constant 0 : i32
    %dma_start3A_5 = arith.constant 0 : i32
    %dma_start3A_6 = arith.constant 0 : i32
    %dma_start3A_7 = tpu.memref_slice %arg5[%dma_start3A_5, %dma_start3A_6] : memref<256x128xf32, #tpu.memory_space<vmem>> -> memref<128x128xf32, #tpu.memory_space<vmem>>
    %dma_start3A_8 = arith.constant 0 : i32
    %dma_start3A_9 = tpu.memref_slice %arg6[%dma_start3A, %dma_start3A_8] : memref<2x128xi32, #tpu.memory_space<vmem>> -> memref<1x128xi32, #tpu.memory_space<vmem>>
    %dma_start3A_10 = tpu.memref_squeeze %dma_start3A_9 : memref<1x128xi32, #tpu.memory_space<vmem>> -> memref<128xi32, #tpu.memory_space<vmem>>
    %dma_start3A_11 = arith.constant 0 : i32
    %dma_start3A_12 = arith.constant 0 : i32
    %dma_start3A_13 = tpu.memref_slice %arg2[%dma_start3A_11, %dma_start3A_12] : memref<8448x128xf32, #tpu.memory_space<hbm>> -> memref<8448x128xf32, #tpu.memory_space<hbm>>
    tpu.enqueue_indirect_dma source(%dma_start3A_13 : memref<8448x128xf32, #tpu.memory_space<hbm>>) target(%dma_start3A_7 : memref<128x128xf32, #tpu.memory_space<vmem>>) offsets(%dma_start3A_10 : memref<128xi32, #tpu.memory_space<vmem>>) semaphore(%arg7 : memref<!tpu.dma_semaphore, #tpu.memory_space<semaphore_mem>>)
    %dma_wait3A = arith.constant 0 : i32
    %dma_wait3A_14 = arith.constant 0 : i32
    %dma_wait3A_15 = arith.constant 0 : i32
    %dma_wait3A_16 = tpu.memref_slice %arg5[%dma_wait3A_14, %dma_wait3A_15] : memref<256x128xf32, #tpu.memory_space<vmem>> -> memref<128x128xf32, #tpu.memory_space<vmem>>
    %dma_wait3A_17 = arith.constant 0 : i32
    %dma_wait3A_18 = tpu.memref_slice %arg6[%dma_wait3A, %dma_wait3A_17] : memref<2x128xi32, #tpu.memory_space<vmem>> -> memref<1x128xi32, #tpu.memory_space<vmem>>
    %dma_wait3A_19 = tpu.memref_squeeze %dma_wait3A_18 : memref<1x128xi32, #tpu.memory_space<vmem>> -> memref<128xi32, #tpu.memory_space<vmem>>
    %dma_wait3A_20 = arith.constant 0 : i32
    %dma_wait3A_21 = arith.constant 0 : i32
    %dma_wait3A_22 = tpu.memref_slice %arg2[%dma_wait3A_20, %dma_wait3A_21] : memref<8448x128xf32, #tpu.memory_space<hbm>> -> memref<8448x128xf32, #tpu.memory_space<hbm>>
    tpu.wait_indirect_dma semaphore(%arg7 : memref<!tpu.dma_semaphore, #tpu.memory_space<semaphore_mem>>) src(%dma_wait3A_22 : memref<8448x128xf32, #tpu.memory_space<hbm>>) dst(%dma_wait3A_16 : memref<128x128xf32, #tpu.memory_space<vmem>>)
    %dma_start3A_23 = arith.constant 1 : i32
    %dma_start3A_24 = arith.constant 128 : i32
    %dma_start3A_25 = arith.constant 0 : i32
    %dma_start3A_26 = tpu.memref_slice %arg5[%dma_start3A_24, %dma_start3A_25] : memref<256x128xf32, #tpu.memory_space<vmem>> -> memref<128x128xf32, #tpu.memory_space<vmem>>
    %dma_start3A_27 = arith.constant 0 : i32
    %dma_start3A_28 = tpu.memref_slice %arg6[%dma_start3A_23, %dma_start3A_27] : memref<2x128xi32, #tpu.memory_space<vmem>> -> memref<1x128xi32, #tpu.memory_space<vmem>>
    %dma_start3A_29 = tpu.memref_squeeze %dma_start3A_28 : memref<1x128xi32, #tpu.memory_space<vmem>> -> memref<128xi32, #tpu.memory_space<vmem>>
    %dma_start3A_30 = arith.constant 0 : i32
    %dma_start3A_31 = arith.constant 0 : i32
    %dma_start3A_32 = tpu.memref_slice %arg2[%dma_start3A_30, %dma_start3A_31] : memref<8448x128xf32, #tpu.memory_space<hbm>> -> memref<8448x128xf32, #tpu.memory_space<hbm>>
    tpu.enqueue_indirect_dma source(%dma_start3A_32 : memref<8448x128xf32, #tpu.memory_space<hbm>>) target(%dma_start3A_26 : memref<128x128xf32, #tpu.memory_space<vmem>>) offsets(%dma_start3A_29 : memref<128xi32, #tpu.memory_space<vmem>>) semaphore(%arg7 : memref<!tpu.dma_semaphore, #tpu.memory_space<semaphore_mem>>)
    %dma_wait3A_33 = arith.constant 1 : i32
    %dma_wait3A_34 = arith.constant 128 : i32
    %dma_wait3A_35 = arith.constant 0 : i32
    %dma_wait3A_36 = tpu.memref_slice %arg5[%dma_wait3A_34, %dma_wait3A_35] : memref<256x128xf32, #tpu.memory_space<vmem>> -> memref<128x128xf32, #tpu.memory_space<vmem>>
    %dma_wait3A_37 = arith.constant 0 : i32
    %dma_wait3A_38 = tpu.memref_slice %arg6[%dma_wait3A_33, %dma_wait3A_37] : memref<2x128xi32, #tpu.memory_space<vmem>> -> memref<1x128xi32, #tpu.memory_space<vmem>>
    %dma_wait3A_39 = tpu.memref_squeeze %dma_wait3A_38 : memref<1x128xi32, #tpu.memory_space<vmem>> -> memref<128xi32, #tpu.memory_space<vmem>>
    %dma_wait3A_40 = arith.constant 0 : i32
    %dma_wait3A_41 = arith.constant 0 : i32
    %dma_wait3A_42 = tpu.memref_slice %arg2[%dma_wait3A_40, %dma_wait3A_41] : memref<8448x128xf32, #tpu.memory_space<hbm>> -> memref<8448x128xf32, #tpu.memory_space<hbm>>
    tpu.wait_indirect_dma semaphore(%arg7 : memref<!tpu.dma_semaphore, #tpu.memory_space<semaphore_mem>>) src(%dma_wait3A_42 : memref<8448x128xf32, #tpu.memory_space<hbm>>) dst(%dma_wait3A_36 : memref<128x128xf32, #tpu.memory_space<vmem>>)
    "tpu.region"() ({
      %run_scoped3A = tpu.sem_alloc : memref<!tpu.dma_semaphore, #tpu.memory_space<semaphore_mem>>
      %dma_start3A_43 = arith.constant 0 : i32
      %dma_start3A_44 = tpu.memref_slice %arg4[%mul3A_2, %dma_start3A_43] : memref<8192x128xf32, #tpu.memory_space<hbm>> -> memref<256x128xf32, #tpu.memory_space<hbm>>
      %dma_start3A_45 = arith.constant 0 : i32
      %dma_start3A_46 = tpu.memref_slice %arg4[%mul3A_2, %dma_start3A_45] : memref<8192x128xf32, #tpu.memory_space<hbm>> -> memref<256x128xf32, #tpu.memory_space<hbm>>
      tpu.enqueue_dma source(%arg5 : memref<256x128xf32, #tpu.memory_space<vmem>>) target(%dma_start3A_46 : memref<256x128xf32, #tpu.memory_space<hbm>>) target_semaphore(%run_scoped3A : memref<!tpu.dma_semaphore, #tpu.memory_space<semaphore_mem>>)
      %dma_wait3A_47 = arith.constant 0 : i32
      %dma_wait3A_48 = tpu.memref_slice %arg4[%mul3A_2, %dma_wait3A_47] : memref<8192x128xf32, #tpu.memory_space<hbm>> -> memref<256x128xf32, #tpu.memory_space<hbm>>
      %dma_wait3A_49 = arith.constant 0 : i32
      %dma_wait3A_50 = tpu.memref_slice %arg4[%mul3A_2, %dma_wait3A_49] : memref<8192x128xf32, #tpu.memory_space<hbm>> -> memref<256x128xf32, #tpu.memory_space<hbm>>
      tpu.wait_dma2 semaphore(%run_scoped3A : memref<!tpu.dma_semaphore, #tpu.memory_space<semaphore_mem>>) src(%arg5 : memref<256x128xf32, #tpu.memory_space<vmem>>) dst(%dma_wait3A_50 : memref<256x128xf32, #tpu.memory_space<hbm>>)
      tpu.yield
    }) : () -> ()
    return
  }
}

#map = affine_map<(d0, d1) -> (0, 0)>
module attributes {stable_mosaic.version = 14 : i64} {
  func.func @k(%arg0: i32, %arg1: i32, %arg2: memref<8192x512xi32, #tpu.memory_space<hbm>>, %arg3: memref<64x128xi32, #tpu.memory_space<hbm>>, %arg4: memref<8448x512xi32, #tpu.memory_space<hbm>>, %arg5: memref<128x512xi32, #tpu.memory_space<vmem>>, %arg6: memref<2x128xi32, #tpu.memory_space<vmem>>, %arg7: memref<!tpu.dma_semaphore, #tpu.memory_space<semaphore_mem>>) attributes {dimension_semantics = [#tpu.dimension_semantics<core_parallel>, #tpu.dimension_semantics<subcore_parallel>], iteration_bounds = array<i64: 2, 16>, scalar_prefetch = 0 : i64, scratch_operands = 3 : i64, tpu.core_type = #tpu.core_type<sc_vector_subcore>, window_params = [{transform_indices = #map}, {transform_indices = #map}, {transform_indices = #map}]} {
    %mul3A = arith.constant 2 : i32
    %mul3A_0 = arith.muli %arg1, %mul3A : i32
    %add3A = arith.addi %mul3A_0, %arg0 : i32
    %mul3A_1 = arith.constant 256 : i32
    %mul3A_2 = arith.muli %add3A, %mul3A_1 : i32
    %mul3A_3 = arith.constant 2 : i32
    %mul3A_4 = arith.muli %add3A, %mul3A_3 : i32
    "tpu.region"() ({
      %run_scoped3A = tpu.sem_alloc : memref<!tpu.dma_semaphore, #tpu.memory_space<semaphore_mem>>
      %dma_start3A_35 = arith.constant 0 : i32
      %dma_start3A_36 = tpu.memref_slice %arg3[%mul3A_4, %dma_start3A_35] : memref<64x128xi32, #tpu.memory_space<hbm>> -> memref<2x128xi32, #tpu.memory_space<hbm>>
      %dma_start3A_37 = arith.constant 0 : i32
      %dma_start3A_38 = tpu.memref_slice %arg3[%mul3A_4, %dma_start3A_37] : memref<64x128xi32, #tpu.memory_space<hbm>> -> memref<2x128xi32, #tpu.memory_space<hbm>>
      tpu.enqueue_dma source(%dma_start3A_38 : memref<2x128xi32, #tpu.memory_space<hbm>>) target(%arg6 : memref<2x128xi32, #tpu.memory_space<vmem>>) target_semaphore(%run_scoped3A : memref<!tpu.dma_semaphore, #tpu.memory_space<semaphore_mem>>)
      %dma_wait3A_39 = arith.constant 0 : i32
      %dma_wait3A_40 = tpu.memref_slice %arg3[%mul3A_4, %dma_wait3A_39] : memref<64x128xi32, #tpu.memory_space<hbm>> -> memref<2x128xi32, #tpu.memory_space<hbm>>
      %dma_wait3A_41 = arith.constant 0 : i32
      %dma_wait3A_42 = tpu.memref_slice %arg3[%mul3A_4, %dma_wait3A_41] : memref<64x128xi32, #tpu.memory_space<hbm>> -> memref<2x128xi32, #tpu.memory_space<hbm>>
      tpu.wait_dma2 semaphore(%run_scoped3A : memref<!tpu.dma_semaphore, #tpu.memory_space<semaphore_mem>>) src(%dma_wait3A_42 : memref<2x128xi32, #tpu.memory_space<hbm>>) dst(%arg6 : memref<2x128xi32, #tpu.memory_space<vmem>>)
      tpu.yield
    }) : () -> ()
    %add3A_5 = arith.constant 0 : i32
    %add3A_6 = arith.addi %mul3A_2, %add3A_5 : i32
    "tpu.region"() ({
      %run_scoped3A = tpu.sem_alloc : memref<!tpu.dma_semaphore, #tpu.memory_space<semaphore_mem>>
      %dma_start3A_35 = arith.constant 0 : i32
      %dma_start3A_36 = tpu.memref_slice %arg2[%add3A_6, %dma_start3A_35] : memref<8192x512xi32, #tpu.memory_space<hbm>> -> memref<128x512xi32, #tpu.memory_space<hbm>>
      %dma_start3A_37 = arith.constant 0 : i32
      %dma_start3A_38 = tpu.memref_slice %arg2[%add3A_6, %dma_start3A_37] : memref<8192x512xi32, #tpu.memory_space<hbm>> -> memref<128x512xi32, #tpu.memory_space<hbm>>
      tpu.enqueue_dma source(%dma_start3A_38 : memref<128x512xi32, #tpu.memory_space<hbm>>) target(%arg5 : memref<128x512xi32, #tpu.memory_space<vmem>>) target_semaphore(%run_scoped3A : memref<!tpu.dma_semaphore, #tpu.memory_space<semaphore_mem>>)
      %dma_wait3A_39 = arith.constant 0 : i32
      %dma_wait3A_40 = tpu.memref_slice %arg2[%add3A_6, %dma_wait3A_39] : memref<8192x512xi32, #tpu.memory_space<hbm>> -> memref<128x512xi32, #tpu.memory_space<hbm>>
      %dma_wait3A_41 = arith.constant 0 : i32
      %dma_wait3A_42 = tpu.memref_slice %arg2[%add3A_6, %dma_wait3A_41] : memref<8192x512xi32, #tpu.memory_space<hbm>> -> memref<128x512xi32, #tpu.memory_space<hbm>>
      tpu.wait_dma2 semaphore(%run_scoped3A : memref<!tpu.dma_semaphore, #tpu.memory_space<semaphore_mem>>) src(%dma_wait3A_42 : memref<128x512xi32, #tpu.memory_space<hbm>>) dst(%arg5 : memref<128x512xi32, #tpu.memory_space<vmem>>)
      tpu.yield
    }) : () -> ()
    %dma_start3A = arith.constant 0 : i32
    %dma_start3A_7 = arith.constant 0 : i32
    %dma_start3A_8 = tpu.memref_slice %arg6[%dma_start3A, %dma_start3A_7] : memref<2x128xi32, #tpu.memory_space<vmem>> -> memref<1x128xi32, #tpu.memory_space<vmem>>
    %dma_start3A_9 = tpu.memref_squeeze %dma_start3A_8 : memref<1x128xi32, #tpu.memory_space<vmem>> -> memref<128xi32, #tpu.memory_space<vmem>>
    %dma_start3A_10 = arith.constant 0 : i32
    %dma_start3A_11 = arith.constant 0 : i32
    %dma_start3A_12 = tpu.memref_slice %arg4[%dma_start3A_10, %dma_start3A_11] : memref<8448x512xi32, #tpu.memory_space<hbm>> -> memref<8448x512xi32, #tpu.memory_space<hbm>>
    tpu.enqueue_indirect_dma source(%arg5 : memref<128x512xi32, #tpu.memory_space<vmem>>) target(%dma_start3A_12 : memref<8448x512xi32, #tpu.memory_space<hbm>>) offsets(%dma_start3A_9 : memref<128xi32, #tpu.memory_space<vmem>>) semaphore(%arg7 : memref<!tpu.dma_semaphore, #tpu.memory_space<semaphore_mem>>)
    %dma_wait3A = arith.constant 0 : i32
    %dma_wait3A_13 = arith.constant 0 : i32
    %dma_wait3A_14 = tpu.memref_slice %arg6[%dma_wait3A, %dma_wait3A_13] : memref<2x128xi32, #tpu.memory_space<vmem>> -> memref<1x128xi32, #tpu.memory_space<vmem>>
    %dma_wait3A_15 = tpu.memref_squeeze %dma_wait3A_14 : memref<1x128xi32, #tpu.memory_space<vmem>> -> memref<128xi32, #tpu.memory_space<vmem>>
    %dma_wait3A_16 = arith.constant 0 : i32
    %dma_wait3A_17 = arith.constant 0 : i32
    %dma_wait3A_18 = tpu.memref_slice %arg4[%dma_wait3A_16, %dma_wait3A_17] : memref<8448x512xi32, #tpu.memory_space<hbm>> -> memref<8448x512xi32, #tpu.memory_space<hbm>>
    tpu.wait_indirect_dma semaphore(%arg7 : memref<!tpu.dma_semaphore, #tpu.memory_space<semaphore_mem>>) src(%arg5 : memref<128x512xi32, #tpu.memory_space<vmem>>) dst(%dma_wait3A_18 : memref<8448x512xi32, #tpu.memory_space<hbm>>)
    %add3A_19 = arith.constant 128 : i32
    %add3A_20 = arith.addi %mul3A_2, %add3A_19 : i32
    "tpu.region"() ({
      %run_scoped3A = tpu.sem_alloc : memref<!tpu.dma_semaphore, #tpu.memory_space<semaphore_mem>>
      %dma_start3A_35 = arith.constant 0 : i32
      %dma_start3A_36 = tpu.memref_slice %arg2[%add3A_20, %dma_start3A_35] : memref<8192x512xi32, #tpu.memory_space<hbm>> -> memref<128x512xi32, #tpu.memory_space<hbm>>
      %dma_start3A_37 = arith.constant 0 : i32
      %dma_start3A_38 = tpu.memref_slice %arg2[%add3A_20, %dma_start3A_37] : memref<8192x512xi32, #tpu.memory_space<hbm>> -> memref<128x512xi32, #tpu.memory_space<hbm>>
      tpu.enqueue_dma source(%dma_start3A_38 : memref<128x512xi32, #tpu.memory_space<hbm>>) target(%arg5 : memref<128x512xi32, #tpu.memory_space<vmem>>) target_semaphore(%run_scoped3A : memref<!tpu.dma_semaphore, #tpu.memory_space<semaphore_mem>>)
      %dma_wait3A_39 = arith.constant 0 : i32
      %dma_wait3A_40 = tpu.memref_slice %arg2[%add3A_20, %dma_wait3A_39] : memref<8192x512xi32, #tpu.memory_space<hbm>> -> memref<128x512xi32, #tpu.memory_space<hbm>>
      %dma_wait3A_41 = arith.constant 0 : i32
      %dma_wait3A_42 = tpu.memref_slice %arg2[%add3A_20, %dma_wait3A_41] : memref<8192x512xi32, #tpu.memory_space<hbm>> -> memref<128x512xi32, #tpu.memory_space<hbm>>
      tpu.wait_dma2 semaphore(%run_scoped3A : memref<!tpu.dma_semaphore, #tpu.memory_space<semaphore_mem>>) src(%dma_wait3A_42 : memref<128x512xi32, #tpu.memory_space<hbm>>) dst(%arg5 : memref<128x512xi32, #tpu.memory_space<vmem>>)
      tpu.yield
    }) : () -> ()
    %dma_start3A_21 = arith.constant 1 : i32
    %dma_start3A_22 = arith.constant 0 : i32
    %dma_start3A_23 = tpu.memref_slice %arg6[%dma_start3A_21, %dma_start3A_22] : memref<2x128xi32, #tpu.memory_space<vmem>> -> memref<1x128xi32, #tpu.memory_space<vmem>>
    %dma_start3A_24 = tpu.memref_squeeze %dma_start3A_23 : memref<1x128xi32, #tpu.memory_space<vmem>> -> memref<128xi32, #tpu.memory_space<vmem>>
    %dma_start3A_25 = arith.constant 0 : i32
    %dma_start3A_26 = arith.constant 0 : i32
    %dma_start3A_27 = tpu.memref_slice %arg4[%dma_start3A_25, %dma_start3A_26] : memref<8448x512xi32, #tpu.memory_space<hbm>> -> memref<8448x512xi32, #tpu.memory_space<hbm>>
    tpu.enqueue_indirect_dma source(%arg5 : memref<128x512xi32, #tpu.memory_space<vmem>>) target(%dma_start3A_27 : memref<8448x512xi32, #tpu.memory_space<hbm>>) offsets(%dma_start3A_24 : memref<128xi32, #tpu.memory_space<vmem>>) semaphore(%arg7 : memref<!tpu.dma_semaphore, #tpu.memory_space<semaphore_mem>>)
    %dma_wait3A_28 = arith.constant 1 : i32
    %dma_wait3A_29 = arith.constant 0 : i32
    %dma_wait3A_30 = tpu.memref_slice %arg6[%dma_wait3A_28, %dma_wait3A_29] : memref<2x128xi32, #tpu.memory_space<vmem>> -> memref<1x128xi32, #tpu.memory_space<vmem>>
    %dma_wait3A_31 = tpu.memref_squeeze %dma_wait3A_30 : memref<1x128xi32, #tpu.memory_space<vmem>> -> memref<128xi32, #tpu.memory_space<vmem>>
    %dma_wait3A_32 = arith.constant 0 : i32
    %dma_wait3A_33 = arith.constant 0 : i32
    %dma_wait3A_34 = tpu.memref_slice %arg4[%dma_wait3A_32, %dma_wait3A_33] : memref<8448x512xi32, #tpu.memory_space<hbm>> -> memref<8448x512xi32, #tpu.memory_space<hbm>>
    tpu.wait_indirect_dma semaphore(%arg7 : memref<!tpu.dma_semaphore, #tpu.memory_space<semaphore_mem>>) src(%arg5 : memref<128x512xi32, #tpu.memory_space<vmem>>) dst(%dma_wait3A_34 : memref<8448x512xi32, #tpu.memory_space<hbm>>)
    return
  }
}

module attributes {stable_mosaic.version = 14 : i64} {
  func.func @_mlp_body(%arg0: i32, %arg1: memref<1x33xi32, #tpu.memory_space<smem>>, %arg2: memref<256x512xi32, #tpu.memory_space<vmem>>, %arg3: memref<1024x2048xf32, #tpu.memory_space<vmem>>, %arg4: memref<1024x2048xf32, #tpu.memory_space<vmem>>, %arg5: memref<1x2048xf32, #tpu.memory_space<vmem>>, %arg6: memref<1x2048xf32, #tpu.memory_space<vmem>>, %arg7: memref<2048x14xf32, #tpu.memory_space<vmem>>, %arg8: memref<2048x14xf32, #tpu.memory_space<vmem>>, %arg9: memref<1x14xf32, #tpu.memory_space<vmem>>, %arg10: memref<1x14xf32, #tpu.memory_space<vmem>>, %arg11: memref<256x128xf32, #tpu.memory_space<vmem>>, %arg12: memref<2x1024x2048xbf16, #tpu.memory_space<vmem>>, %arg13: memref<2x2048x128xbf16, #tpu.memory_space<vmem>>) attributes {dimension_semantics = [#tpu.dimension_semantics<arbitrary>], iteration_bounds = array<i64: 33>, scalar_prefetch = 1 : i64, scratch_operands = 2 : i64, tpu.core_type = #tpu.core_type<tc>, window_params = [{transform_indices = @transform_0, window_bounds = array<i64: 256, 512>}, {pipeline_mode = #tpu.pipeline_mode<synchronous>, transform_indices = @transform_1, window_bounds = array<i64: 1024, 2048>}, {pipeline_mode = #tpu.pipeline_mode<synchronous>, transform_indices = @transform_2, window_bounds = array<i64: 1024, 2048>}, {pipeline_mode = #tpu.pipeline_mode<synchronous>, transform_indices = @transform_3, window_bounds = array<i64: 1, 2048>}, {pipeline_mode = #tpu.pipeline_mode<synchronous>, transform_indices = @transform_4, window_bounds = array<i64: 1, 2048>}, {pipeline_mode = #tpu.pipeline_mode<synchronous>, transform_indices = @transform_5, window_bounds = array<i64: 2048, 14>}, {pipeline_mode = #tpu.pipeline_mode<synchronous>, transform_indices = @transform_6, window_bounds = array<i64: 2048, 14>}, {pipeline_mode = #tpu.pipeline_mode<synchronous>, transform_indices = @transform_7, window_bounds = array<i64: 1, 14>}, {pipeline_mode = #tpu.pipeline_mode<synchronous>, transform_indices = @transform_8, window_bounds = array<i64: 1, 14>}, {transform_indices = @transform_9, window_bounds = array<i64: 256, 128>}]} {
    %eq3A = arith.constant 0 : i32
    %eq3A_0 = arith.cmpi eq, %arg0, %eq3A : i32
    %convert_element_type3A = arith.extui %eq3A_0 : i1 to i32
    %cond3A = arith.constant 0 : i32
    %cond3A_1 = arith.cmpi ne, %convert_element_type3A, %cond3A : i32
    scf.if %cond3A_1 {
      %get3A_53 = arith.constant 0 : index
      %get3A_54 = arith.constant 0 : index
      %get3A_55 = vector.load %arg3[%get3A_53, %get3A_54] : memref<1024x2048xf32, #tpu.memory_space<vmem>>, vector<1024x2048xf32>
      %convert_element_type3A_56 = arith.truncf %get3A_55 : vector<1024x2048xf32> to vector<1024x2048xbf16>
      %swap3A_57 = arith.constant 0 : index
      %swap3A_58 = arith.constant 0 : index
      %swap3A_59 = arith.constant 0 : index
      %swap3A_60 = vector.load %arg12[%swap3A_57, %swap3A_58, %swap3A_59] : memref<2x1024x2048xbf16, #tpu.memory_space<vmem>>, vector<1x1024x2048xbf16>
      %swap3A_61 = vector.shape_cast %swap3A_60 : vector<1x1024x2048xbf16> to vector<1024x2048xbf16>
      %swap3A_62 = vector.shape_cast %convert_element_type3A_56 : vector<1024x2048xbf16> to vector<1x1024x2048xbf16>
      tpu.vector_store %arg12[%swap3A_57, %swap3A_58, %swap3A_59], %swap3A_62 {strides = array<i32>} : memref<2x1024x2048xbf16, #tpu.memory_space<vmem>>, vector<1x1024x2048xbf16>,
      %get3A_63 = arith.constant 0 : index
      %get3A_64 = arith.constant 0 : index
      %get3A_65 = vector.load %arg4[%get3A_63, %get3A_64] : memref<1024x2048xf32, #tpu.memory_space<vmem>>, vector<1024x2048xf32>
      %convert_element_type3A_66 = arith.truncf %get3A_65 : vector<1024x2048xf32> to vector<1024x2048xbf16>
      %swap3A_67 = arith.constant 1 : index
      %swap3A_68 = arith.constant 0 : index
      %swap3A_69 = arith.constant 0 : index
      %swap3A_70 = vector.load %arg12[%swap3A_67, %swap3A_68, %swap3A_69] : memref<2x1024x2048xbf16, #tpu.memory_space<vmem>>, vector<1x1024x2048xbf16>
      %swap3A_71 = vector.shape_cast %swap3A_70 : vector<1x1024x2048xbf16> to vector<1024x2048xbf16>
      %swap3A_72 = vector.shape_cast %convert_element_type3A_66 : vector<1024x2048xbf16> to vector<1x1024x2048xbf16>
      tpu.vector_store %arg12[%swap3A_67, %swap3A_68, %swap3A_69], %swap3A_72 {strides = array<i32>} : memref<2x1024x2048xbf16, #tpu.memory_space<vmem>>, vector<1x1024x2048xbf16>,
      %broadcast_in_dim3A_73 = arith.constant 0.000000e+00 : bf16
      %broadcast_in_dim3A_74 = vector.broadcast %broadcast_in_dim3A_73 : bf16 to vector<2x2048x128xbf16>
      %swap3A_75 = arith.constant 0 : index
      %swap3A_76 = arith.constant 0 : index
      %swap3A_77 = arith.constant 0 : index
      %swap3A_78 = vector.load %arg13[%swap3A_75, %swap3A_76, %swap3A_77] : memref<2x2048x128xbf16, #tpu.memory_space<vmem>>, vector<2x2048x128xbf16>
      tpu.vector_store %arg13[%swap3A_75, %swap3A_76, %swap3A_77], %broadcast_in_dim3A_74 {strides = array<i32>} : memref<2x2048x128xbf16, #tpu.memory_space<vmem>>, vector<2x2048x128xbf16>,
      %get3A_79 = arith.constant 0 : index
      %get3A_80 = arith.constant 0 : index
      %get3A_81 = vector.load %arg7[%get3A_79, %get3A_80] : memref<2048x14xf32, #tpu.memory_space<vmem>>, vector<2048x14xf32>
      %convert_element_type3A_82 = arith.truncf %get3A_81 : vector<2048x14xf32> to vector<2048x14xbf16>
      %swap3A_83 = arith.constant 0 : index
      %swap3A_84 = arith.constant 0 : index
      %swap3A_85 = arith.constant 0 : index
      %swap3A_86 = vector.load %arg13[%swap3A_83, %swap3A_84, %swap3A_85] : memref<2x2048x128xbf16, #tpu.memory_space<vmem>>, vector<1x2048x14xbf16>
      %swap3A_87 = vector.shape_cast %swap3A_86 : vector<1x2048x14xbf16> to vector<2048x14xbf16>
      %swap3A_88 = vector.shape_cast %convert_element_type3A_82 : vector<2048x14xbf16> to vector<1x2048x14xbf16>
      tpu.vector_store %arg13[%swap3A_83, %swap3A_84, %swap3A_85], %swap3A_88 {strides = array<i32>} : memref<2x2048x128xbf16, #tpu.memory_space<vmem>>, vector<1x2048x14xbf16>,
      %get3A_89 = arith.constant 0 : index
      %get3A_90 = arith.constant 0 : index
      %get3A_91 = vector.load %arg8[%get3A_89, %get3A_90] : memref<2048x14xf32, #tpu.memory_space<vmem>>, vector<2048x14xf32>
      %convert_element_type3A_92 = arith.truncf %get3A_91 : vector<2048x14xf32> to vector<2048x14xbf16>
      %swap3A_93 = arith.constant 1 : index
      %swap3A_94 = arith.constant 0 : index
      %swap3A_95 = arith.constant 0 : index
      %swap3A_96 = vector.load %arg13[%swap3A_93, %swap3A_94, %swap3A_95] : memref<2x2048x128xbf16, #tpu.memory_space<vmem>>, vector<1x2048x14xbf16>
      %swap3A_97 = vector.shape_cast %swap3A_96 : vector<1x2048x14xbf16> to vector<2048x14xbf16>
      %swap3A_98 = vector.shape_cast %convert_element_type3A_92 : vector<2048x14xbf16> to vector<1x2048x14xbf16>
      tpu.vector_store %arg13[%swap3A_93, %swap3A_94, %swap3A_95], %swap3A_98 {strides = array<i32>} : memref<2x2048x128xbf16, #tpu.memory_space<vmem>>, vector<1x2048x14xbf16>,
    } else {
    }
    %get3A = arith.constant 0 : index
    %get3A_2 = arith.index_cast %arg0 : i32 to index
    %get3A_3 = memref.load %arg1[%get3A, %get3A_2] : memref<1x33xi32, #tpu.memory_space<smem>>
    %eq3A_4 = arith.constant 0 : i32
    %eq3A_5 = arith.cmpi eq, %get3A_3, %eq3A_4 : i32
    %get3A_6 = arith.constant 0 : index
    %get3A_7 = arith.constant 0 : index
    %get3A_8 = vector.load %arg2[%get3A_6, %get3A_7] : memref<256x512xi32, #tpu.memory_space<vmem>>, vector<256x512xi32>
    %bitcast3A = tpu.bitcast %get3A_8 : vector<256x512xi32> -> vector<256x512xi32>
    %and3A = arith.constant 65535 : i32
    %and3A_9 = vector.broadcast %and3A : i32 to vector<256x512xi32>
    %and3A_10 = arith.andi %bitcast3A, %and3A_9 : vector<256x512xi32>
    %convert_element_type3A_11 = arith.trunci %and3A_10 : vector<256x512xi32> to vector<256x512xi16>
    %bitcast3A_12 = tpu.bitcast %convert_element_type3A_11 : vector<256x512xi16> -> vector<256x512xbf16>
    %shift_right_logical3A = arith.constant 16 : i32
    %shift_right_logical3A_13 = vector.broadcast %shift_right_logical3A : i32 to vector<256x512xi32>
    %shift_right_logical3A_14 = arith.shrui %bitcast3A, %shift_right_logical3A_13 : vector<256x512xi32>
    %convert_element_type3A_15 = arith.trunci %shift_right_logical3A_14 : vector<256x512xi32> to vector<256x512xi16>
    %bitcast3A_16 = tpu.bitcast %convert_element_type3A_15 : vector<256x512xi16> -> vector<256x512xbf16>
    %concatenate3A = tpu.concatenate %bitcast3A_12, %bitcast3A_16 in 1 : vector<256x512xbf16>, vector<256x512xbf16> -> vector<256x1024xbf16>
    %get3A_17 = arith.constant 0 : index
    %get3A_18 = arith.constant 0 : index
    %get3A_19 = vector.load %arg5[%get3A_17, %get3A_18] : memref<1x2048xf32, #tpu.memory_space<vmem>>, vector<1x2048xf32>
    %get3A_20 = arith.constant 0 : index
    %get3A_21 = arith.constant 0 : index
    %get3A_22 = vector.load %arg6[%get3A_20, %get3A_21] : memref<1x2048xf32, #tpu.memory_space<vmem>>, vector<1x2048xf32>
    %select_n3A = arith.select %eq3A_5, %get3A_19, %get3A_22 : vector<1x2048xf32>
    %get3A_23 = arith.index_cast %get3A_3 : i32 to index
    %get3A_24 = arith.constant 0 : index
    %get3A_25 = arith.constant 0 : index
    %get3A_26 = vector.load %arg12[%get3A_23, %get3A_24, %get3A_25] : memref<2x1024x2048xbf16, #tpu.memory_space<vmem>>, vector<1x1024x2048xbf16>
    %get3A_27 = vector.shape_cast %get3A_26 : vector<1x1024x2048xbf16> to vector<1024x2048xbf16>
    %dot_general3A = arith.constant dense<0.000000e+00> : vector<256x2048xf32>
    %dot_general3A_28 = tpu.matmul %concatenate3A, %get3A_27, %dot_general3A {dimension_numbers = #tpu.dot_dimension_numbers<[1], [0], [0], [1], [0, 0, 1, 1], [], []>, transpose_lhs_hint = false} : vector<256x1024xbf16>, vector<1024x2048xbf16>, vector<256x2048xf32> -> vector<256x2048xf32>
    %add3A = vector.broadcast %select_n3A : vector<1x2048xf32> to vector<256x2048xf32>
    %add3A_29 = arith.addf %dot_general3A_28, %add3A : vector<256x2048xf32>
    %max3A = arith.constant 0.000000e+00 : f32
    %max3A_30 = vector.broadcast %max3A : f32 to vector<256x2048xf32>
    %max3A_31 = arith.maximumf %add3A_29, %max3A_30 : vector<256x2048xf32>
    %get3A_32 = arith.constant 0 : index
    %get3A_33 = arith.constant 0 : index
    %get3A_34 = vector.load %arg9[%get3A_32, %get3A_33] : memref<1x14xf32, #tpu.memory_space<vmem>>, vector<1x14xf32>
    %get3A_35 = arith.constant 0 : index
    %get3A_36 = arith.constant 0 : index
    %get3A_37 = vector.load %arg10[%get3A_35, %get3A_36] : memref<1x14xf32, #tpu.memory_space<vmem>>, vector<1x14xf32>
    %select_n3A_38 = arith.select %eq3A_5, %get3A_34, %get3A_37 : vector<1x14xf32>
    %broadcast_in_dim3A = arith.constant 0.000000e+00 : f32
    %broadcast_in_dim3A_39 = vector.broadcast %broadcast_in_dim3A : f32 to vector<1x114xf32>
    %concatenate3A_40 = tpu.concatenate %select_n3A_38, %broadcast_in_dim3A_39 in 1 : vector<1x14xf32>, vector<1x114xf32> -> vector<1x128xf32>
    %convert_element_type3A_41 = arith.truncf %max3A_31 : vector<256x2048xf32> to vector<256x2048xbf16>
    %get3A_42 = arith.index_cast %get3A_3 : i32 to index
    %get3A_43 = arith.constant 0 : index
    %get3A_44 = arith.constant 0 : index
    %get3A_45 = vector.load %arg13[%get3A_42, %get3A_43, %get3A_44] : memref<2x2048x128xbf16, #tpu.memory_space<vmem>>, vector<1x2048x128xbf16>
    %get3A_46 = vector.shape_cast %get3A_45 : vector<1x2048x128xbf16> to vector<2048x128xbf16>
    %dot_general3A_47 = arith.constant dense<0.000000e+00> : vector<256x128xf32>
    %dot_general3A_48 = tpu.matmul %convert_element_type3A_41, %get3A_46, %dot_general3A_47 {dimension_numbers = #tpu.dot_dimension_numbers<[1], [0], [0], [1], [0, 0, 1, 1], [], []>, transpose_lhs_hint = false} : vector<256x2048xbf16>, vector<2048x128xbf16>, vector<256x128xf32> -> vector<256x128xf32>
    %add3A_49 = vector.broadcast %concatenate3A_40 : vector<1x128xf32> to vector<256x128xf32>
    %add3A_50 = arith.addf %dot_general3A_48, %add3A_49 : vector<256x128xf32>
    %swap3A = arith.constant 0 : index
    %swap3A_51 = arith.constant 0 : index
    %swap3A_52 = vector.load %arg11[%swap3A, %swap3A_51] : memref<256x128xf32, #tpu.memory_space<vmem>>, vector<256x128xf32>
    tpu.vector_store %arg11[%swap3A, %swap3A_51], %add3A_50 {strides = array<i32>} : memref<256x128xf32, #tpu.memory_space<vmem>>, vector<256x128xf32>,
    return
  }
  func.func @transform_0(%arg0: i32, %arg1: memref<1x33xi32, #tpu.memory_space<smem>>) -> (i32, i32) {
    %c0_i32 = arith.constant 0 : i32
    %c0_i32_0 = arith.constant 0 : i32
    return %arg0, %c0_i32 : i32, i32
  }
  func.func @transform_1(%arg0: i32, %arg1: memref<1x33xi32, #tpu.memory_space<smem>>) -> (i32, i32) {
    %c0_i32 = arith.constant 0 : i32
    %c0_i32_0 = arith.constant 0 : i32
    %c0_i32_1 = arith.constant 0 : i32
    return %c0_i32, %c0_i32_0 : i32, i32
  }
  func.func @transform_2(%arg0: i32, %arg1: memref<1x33xi32, #tpu.memory_space<smem>>) -> (i32, i32) {
    %c0_i32 = arith.constant 0 : i32
    %c0_i32_0 = arith.constant 0 : i32
    %c0_i32_1 = arith.constant 0 : i32
    return %c0_i32, %c0_i32_0 : i32, i32
  }
  func.func @transform_3(%arg0: i32, %arg1: memref<1x33xi32, #tpu.memory_space<smem>>) -> (i32, i32) {
    %c0_i32 = arith.constant 0 : i32
    %c0_i32_0 = arith.constant 0 : i32
    %c0_i32_1 = arith.constant 0 : i32
    return %c0_i32, %c0_i32_0 : i32, i32
  }
  func.func @transform_4(%arg0: i32, %arg1: memref<1x33xi32, #tpu.memory_space<smem>>) -> (i32, i32) {
    %c0_i32 = arith.constant 0 : i32
    %c0_i32_0 = arith.constant 0 : i32
    %c0_i32_1 = arith.constant 0 : i32
    return %c0_i32, %c0_i32_0 : i32, i32
  }
  func.func @transform_5(%arg0: i32, %arg1: memref<1x33xi32, #tpu.memory_space<smem>>) -> (i32, i32) {
    %c0_i32 = arith.constant 0 : i32
    %c0_i32_0 = arith.constant 0 : i32
    %c0_i32_1 = arith.constant 0 : i32
    return %c0_i32, %c0_i32_0 : i32, i32
  }
  func.func @transform_6(%arg0: i32, %arg1: memref<1x33xi32, #tpu.memory_space<smem>>) -> (i32, i32) {
    %c0_i32 = arith.constant 0 : i32
    %c0_i32_0 = arith.constant 0 : i32
    %c0_i32_1 = arith.constant 0 : i32
    return %c0_i32, %c0_i32_0 : i32, i32
  }
  func.func @transform_7(%arg0: i32, %arg1: memref<1x33xi32, #tpu.memory_space<smem>>) -> (i32, i32) {
    %c0_i32 = arith.constant 0 : i32
    %c0_i32_0 = arith.constant 0 : i32
    %c0_i32_1 = arith.constant 0 : i32
    return %c0_i32, %c0_i32_0 : i32, i32
  }
  func.func @transform_8(%arg0: i32, %arg1: memref<1x33xi32, #tpu.memory_space<smem>>) -> (i32, i32) {
    %c0_i32 = arith.constant 0 : i32
    %c0_i32_0 = arith.constant 0 : i32
    %c0_i32_1 = arith.constant 0 : i32
    return %c0_i32, %c0_i32_0 : i32, i32
  }
  func.func @transform_9(%arg0: i32, %arg1: memref<1x33xi32, #tpu.memory_space<smem>>) -> (i32, i32) {
    %c0_i32 = arith.constant 0 : i32
    %c0_i32_0 = arith.constant 0 : i32
    return %arg0, %c0_i32 : i32, i32
  }
}

module attributes {stable_mosaic.version = 14 : i64} {
  func.func @_score_route_body(%arg0: i32, %arg1: memref<2048x1024xf32, #tpu.memory_space<vmem>>, %arg2: memref<1024x1xf32, #tpu.memory_space<vmem>>, %arg3: memref<1xf32, #tpu.memory_space<smem>>, %arg4: memref<2048x512xi32, #tpu.memory_space<vmem>>, %arg5: memref<64x128xi32, #tpu.memory_space<vmem>>, %arg6: memref<1x33xi32, #tpu.memory_space<vmem>>, %arg7: memref<64x128xf32, #tpu.memory_space<vmem>>) attributes {dimension_semantics = [#tpu.dimension_semantics<arbitrary>], iteration_bounds = array<i64: 4>, scalar_prefetch = 0 : i64, scratch_operands = 1 : i64, tpu.core_type = #tpu.core_type<tc>, window_params = [{transform_indices = @transform_0, window_bounds = array<i64: 2048, 1024>}, {pipeline_mode = #tpu.pipeline_mode<synchronous>, transform_indices = @transform_1, window_bounds = array<i64: 1024, 1>}, {transform_indices = @transform_2, window_bounds = array<i64: 1>}, {transform_indices = @transform_3, window_bounds = array<i64: 2048, 512>}, {pipeline_mode = #tpu.pipeline_mode<synchronous>, transform_indices = @transform_4, window_bounds = array<i64: 64, 128>}, {pipeline_mode = #tpu.pipeline_mode<synchronous>, transform_indices = @transform_5, window_bounds = array<i64: 1, 33>}]} {
    %get3A = arith.constant 0 : index
    %get3A_0 = arith.constant 0 : index
    %get3A_1 = vector.load %arg1[%get3A, %get3A_0] : memref<2048x1024xf32, #tpu.memory_space<vmem>>, vector<2048x1024xf32>
    %get3A_2 = arith.constant 0 : index
    %get3A_3 = arith.constant 0 : index
    %get3A_4 = vector.load %arg2[%get3A_2, %get3A_3] : memref<1024x1xf32, #tpu.memory_space<vmem>>, vector<1024x1xf32>
    %dot_general3A = arith.constant dense<0.000000e+00> : vector<1x2048xf32>
    %dot_general3A_5 = tpu.matmul %get3A_4, %get3A_1, %dot_general3A {dimension_numbers = #tpu.dot_dimension_numbers<[0], [1], [1], [0], [0, 1, 1, 0], [], []>, transpose_lhs_hint = false} : vector<1024x1xf32>, vector<2048x1024xf32>, vector<1x2048xf32> -> vector<1x2048xf32>
    %reshape3A = vector.shape_cast %dot_general3A_5 : vector<1x2048xf32> to vector<16x128xf32>
    %get3A_6 = arith.constant 0 : index
    %get3A_7 = memref.load %arg3[%get3A_6] : memref<1xf32, #tpu.memory_space<smem>>
    %add3A = vector.broadcast %get3A_7 : f32 to vector<16x128xf32>
    %add3A_8 = arith.addf %reshape3A, %add3A : vector<16x128xf32>
    %mul3A = arith.constant 16 : i32
    %mul3A_9 = arith.muli %arg0, %mul3A : i32
    %swap3A = arith.index_cast %mul3A_9 : i32 to index
    %swap3A_10 = arith.constant 0 : index
    %swap3A_11 = vector.load %arg7[%swap3A, %swap3A_10] : memref<64x128xf32, #tpu.memory_space<vmem>>, vector<16x128xf32>
    tpu.vector_store %arg7[%swap3A, %swap3A_10], %add3A_8 {strides = array<i32>} : memref<64x128xf32, #tpu.memory_space<vmem>>, vector<16x128xf32>,
    %convert_element_type3A = arith.truncf %get3A_1 : vector<2048x1024xf32> to vector<2048x1024xbf16>
    %slice3A = vector.extract_strided_slice %convert_element_type3A {offsets = [0, 0], sizes = [2048, 512], strides = [1, 1]} : vector<2048x1024xbf16> to vector<2048x512xbf16>
    %bitcast3A = tpu.bitcast %slice3A : vector<2048x512xbf16> -> vector<2048x512xi16>
    %convert_element_type3A_12 = arith.extui %bitcast3A : vector<2048x512xi16> to vector<2048x512xi32>
    %slice3A_13 = vector.extract_strided_slice %convert_element_type3A {offsets = [0, 512], sizes = [2048, 512], strides = [1, 1]} : vector<2048x1024xbf16> to vector<2048x512xbf16>
    %bitcast3A_14 = tpu.bitcast %slice3A_13 : vector<2048x512xbf16> -> vector<2048x512xi16>
    %convert_element_type3A_15 = arith.extui %bitcast3A_14 : vector<2048x512xi16> to vector<2048x512xi32>
    %shift_left3A = arith.constant 16 : i32
    %shift_left3A_16 = vector.broadcast %shift_left3A : i32 to vector<2048x512xi32>
    %shift_left3A_17 = arith.shli %convert_element_type3A_15, %shift_left3A_16 : vector<2048x512xi32>
    %or3A = arith.ori %convert_element_type3A_12, %shift_left3A_17 : vector<2048x512xi32>
    %bitcast3A_18 = tpu.bitcast %or3A : vector<2048x512xi32> -> vector<2048x512xi32>
    %swap3A_19 = arith.constant 0 : index
    %swap3A_20 = arith.constant 0 : index
    %swap3A_21 = vector.load %arg4[%swap3A_19, %swap3A_20] : memref<2048x512xi32, #tpu.memory_space<vmem>>, vector<2048x512xi32>
    tpu.vector_store %arg4[%swap3A_19, %swap3A_20], %bitcast3A_18 {strides = array<i32>} : memref<2048x512xi32, #tpu.memory_space<vmem>>, vector<2048x512xi32>,
    %eq3A = arith.constant 3 : i32
    %eq3A_22 = arith.cmpi eq, %arg0, %eq3A : i32
    %convert_element_type3A_23 = arith.extui %eq3A_22 : i1 to i32
    %cond3A = arith.constant 0 : i32
    %cond3A_24 = arith.cmpi ne, %convert_element_type3A_23, %cond3A : i32
    scf.if %cond3A_24 {
      %get3A_25 = arith.constant 0 : index
      %get3A_26 = arith.constant 0 : index
      %get3A_27 = vector.load %arg7[%get3A_25, %get3A_26] : memref<64x128xf32, #tpu.memory_space<vmem>>, vector<64x128xf32>
      %gt3A = arith.constant 0.000000e+00 : f32
      %gt3A_28 = vector.broadcast %gt3A : f32 to vector<64x128xf32>
      %gt3A_29 = arith.cmpf ogt, %get3A_27, %gt3A_28 : vector<64x128xf32>
      %convert_element_type3A_30 = arith.extui %gt3A_29 : vector<64x128xi1> to vector<64x128xi32>
      %convert_element_type3A_31 = arith.sitofp %convert_element_type3A_30 : vector<64x128xi32> to vector<64x128xf32>
      %iota3A = tpu.iota {dimensions = array<i32: 0>} : vector<128x128xi32>
      %iota3A_32 = tpu.iota {dimensions = array<i32: 1>} : vector<128x128xi32>
      %lt3A = arith.cmpi slt, %iota3A, %iota3A_32 : vector<128x128xi32>
      %convert_element_type3A_33 = arith.extui %lt3A : vector<128x128xi1> to vector<128x128xi32>
      %convert_element_type3A_34 = arith.sitofp %convert_element_type3A_33 : vector<128x128xi32> to vector<128x128xf32>
      %broadcast_in_dim3A = arith.constant 1.000000e+00 : f32
      %broadcast_in_dim3A_35 = vector.broadcast %broadcast_in_dim3A : f32 to vector<128x128xf32>
      %dot_general3A_36 = arith.constant dense<0.000000e+00> : vector<64x128xf32>
      %dot_general3A_37 = tpu.matmul %convert_element_type3A_31, %convert_element_type3A_34, %dot_general3A_36 {dimension_numbers = #tpu.dot_dimension_numbers<[1], [0], [0], [1], [0, 0, 1, 1], [], []>, transpose_lhs_hint = false} : vector<64x128xf32>, vector<128x128xf32>, vector<64x128xf32> -> vector<64x128xf32>
      %dot_general3A_38 = arith.constant dense<0.000000e+00> : vector<64x128xf32>
      %dot_general3A_39 = tpu.matmul %convert_element_type3A_31, %broadcast_in_dim3A_35, %dot_general3A_38 {dimension_numbers = #tpu.dot_dimension_numbers<[1], [0], [0], [1], [0, 0, 1, 1], [], []>, transpose_lhs_hint = false} : vector<64x128xf32>, vector<128x128xf32>, vector<64x128xf32> -> vector<64x128xf32>
      %iota3A_40 = tpu.iota {dimensions = array<i32: 0>} : vector<64x64xi32>
      %iota3A_41 = tpu.iota {dimensions = array<i32: 1>} : vector<64x64xi32>
      %lt3A_42 = arith.cmpi slt, %iota3A_41, %iota3A_40 : vector<64x64xi32>
      %convert_element_type3A_43 = arith.extui %lt3A_42 : vector<64x64xi1> to vector<64x64xi32>
      %convert_element_type3A_44 = arith.sitofp %convert_element_type3A_43 : vector<64x64xi32> to vector<64x64xf32>
      %dot_general3A_45 = arith.constant dense<0.000000e+00> : vector<64x128xf32>
      %dot_general3A_46 = tpu.matmul %convert_element_type3A_44, %dot_general3A_39, %dot_general3A_45 {dimension_numbers = #tpu.dot_dimension_numbers<[1], [0], [0], [1], [0, 0, 1, 1], [], []>, transpose_lhs_hint = false} : vector<64x64xf32>, vector<64x128xf32>, vector<64x128xf32> -> vector<64x128xf32>
      %add3A_47 = arith.addf %dot_general3A_37, %dot_general3A_46 : vector<64x128xf32>
      %reduce_sum3A = vector.shape_cast %convert_element_type3A_31 : vector<64x128xf32> to vector<1x64x128xf32>
      %reduce_sum3A_48 = arith.constant dense<0.000000e+00> : vector<1xf32>
      %reduce_sum3A_49 = vector.multi_reduction <add>, %reduce_sum3A, %reduce_sum3A_48 [1, 2] : vector<1x64x128xf32> to vector<1xf32>
      %reduce_sum3A_50 = vector.shape_cast %reduce_sum3A_49 : vector<1xf32> to vector<1x1x1xf32>
      %reduce_sum3A_51 = vector.extract %reduce_sum3A_50[0, 0, 0] : f32 from vector<1x1x1xf32>
      %div3A = arith.constant 2.560000e+02 : f32
      %div3A_52 = arith.divf %reduce_sum3A_51, %div3A : f32
      %ceil3A = math.ceil %div3A_52 : f32
      %mul3A_53 = arith.constant 2.560000e+02 : f32
      %mul3A_54 = arith.mulf %ceil3A, %mul3A_53 : f32
      %iota3A_55 = tpu.iota {dimensions = array<i32: 0>} : vector<64x128xi32>
      %mul3A_56 = arith.constant 128 : i32
      %mul3A_57 = vector.broadcast %mul3A_56 : i32 to vector<64x128xi32>
      %mul3A_58 = arith.muli %iota3A_55, %mul3A_57 : vector<64x128xi32>
      %iota3A_59 = tpu.iota {dimensions = array<i32: 1>} : vector<64x128xi32>
      %add3A_60 = arith.addi %mul3A_58, %iota3A_59 : vector<64x128xi32>
      %convert_element_type3A_61 = arith.sitofp %add3A_60 : vector<64x128xi32> to vector<64x128xf32>
      %add3A_62 = vector.broadcast %mul3A_54 : f32 to vector<64x128xf32>
      %add3A_63 = arith.addf %add3A_62, %convert_element_type3A_61 : vector<64x128xf32>
      %sub3A = arith.subf %add3A_63, %add3A_47 : vector<64x128xf32>
      %select_n3A = arith.select %gt3A_29, %add3A_47, %sub3A : vector<64x128xi1>, vector<64x128xf32>
      %convert_element_type3A_64 = arith.fptosi %select_n3A : vector<64x128xf32> to vector<64x128xi32>
      %swap3A_65 = arith.constant 0 : index
      %swap3A_66 = arith.constant 0 : index
      %swap3A_67 = vector.load %arg5[%swap3A_65, %swap3A_66] : memref<64x128xi32, #tpu.memory_space<vmem>>, vector<64x128xi32>
      tpu.vector_store %arg5[%swap3A_65, %swap3A_66], %convert_element_type3A_64 {strides = array<i32>} : memref<64x128xi32, #tpu.memory_space<vmem>>, vector<64x128xi32>,
      %iota3A_68 = tpu.iota {dimensions = array<i32: 1>} : vector<1x33xi32>
      %convert_element_type3A_69 = arith.sitofp %iota3A_68 : vector<1x33xi32> to vector<1x33xf32>
      %mul3A_70 = arith.constant 2.560000e+02 : f32
      %mul3A_71 = vector.broadcast %mul3A_70 : f32 to vector<1x33xf32>
      %mul3A_72 = arith.mulf %convert_element_type3A_69, %mul3A_71 : vector<1x33xf32>
      %ge3A = vector.broadcast %mul3A_54 : f32 to vector<1x33xf32>
      %ge3A_73 = arith.cmpf oge, %mul3A_72, %ge3A : vector<1x33xf32>
      %convert_element_type3A_74 = arith.extui %ge3A_73 : vector<1x33xi1> to vector<1x33xi32>
      %swap3A_75 = arith.constant 0 : index
      %swap3A_76 = arith.constant 0 : index
      %swap3A_77 = vector.load %arg6[%swap3A_75, %swap3A_76] : memref<1x33xi32, #tpu.memory_space<vmem>>, vector<1x33xi32>
      tpu.vector_store %arg6[%swap3A_75, %swap3A_76], %convert_element_type3A_74 {strides = array<i32>} : memref<1x33xi32, #tpu.memory_space<vmem>>, vector<1x33xi32>,
    } else {
    }
    return
  }
  func.func @transform_0(%arg0: i32) -> (i32, i32) {
    %c0_i32 = arith.constant 0 : i32
    %c0_i32_0 = arith.constant 0 : i32
    return %arg0, %c0_i32 : i32, i32
  }
  func.func @transform_1(%arg0: i32) -> (i32, i32) {
    %c0_i32 = arith.constant 0 : i32
    %c0_i32_0 = arith.constant 0 : i32
    %c0_i32_1 = arith.constant 0 : i32
    return %c0_i32, %c0_i32_0 : i32, i32
  }
  func.func @transform_2(%arg0: i32) -> i32 {
    %c0_i32 = arith.constant 0 : i32
    %c0_i32_0 = arith.constant 0 : i32
    return %c0_i32 : i32
  }
  func.func @transform_3(%arg0: i32) -> (i32, i32) {
    %c0_i32 = arith.constant 0 : i32
    %c0_i32_0 = arith.constant 0 : i32
    return %arg0, %c0_i32 : i32, i32
  }
  func.func @transform_4(%arg0: i32) -> (i32, i32) {
    %c0_i32 = arith.constant 0 : i32
    %c0_i32_0 = arith.constant 0 : i32
    %c0_i32_1 = arith.constant 0 : i32
    return %c0_i32, %c0_i32_0 : i32, i32
  }
  func.func @transform_5(%arg0: i32) -> (i32, i32) {
    %c0_i32 = arith.constant 0 : i32
    %c0_i32_0 = arith.constant 0 : i32
    %c0_i32_1 = arith.constant 0 : i32
    return %c0_i32, %c0_i32_0 : i32, i32
  }
}

</mosaic_0001>

<sc_bundles>
// kernel: kernel.6.cloned.1.call-start
scs
__scs_entry_jumppad:
0x0: {  	(pc) =	sbr.rel $0x88, $3  }
0x1: {  	(tag) =	ssettag $0x0;
	lr =	simm.s32 $0x1  }
0x2: {  	[smem:$0x3F96] =	sst lr;
	_ =	strace $0xD0000000  }
0x3: {  	_ = 	snop  }
0x4: {  	_ = 	snop  }
0x5: {  	_ = 	snop  }
0x6: {  	_ = 	snop  }
0x7: {  	_ = 	snop  }
__scs_overlays_trampoline_lowered:
0x8: {  	[smem:$0x3FA5] =	sst s0  }
0x9: {  	[smem:$0x3FA6] =	sst s1  }
0xa: {  	[smem:$0x3FA7] =	sst s2  }
0xb: {  	[smem:$0x3FA8] =	sst s3  }
0xc: {  	[smem:$0x3FA9] =	sst s4  }
0xd: {  	[smem:$0x3FAA] =	sst s5  }
0xe: {  	[smem:$0x3FAB] =	sst s6  }
0xf: {  	[smem:$0x3FAC] =	sst s7  }
0x10: {  	[smem:$0x3FAD] =	sst s8  }
0x11: {  	[smem:$0x3FAE] =	sst s9;
	s0 =	simm.s32 @!p0 $0x0  }
0x12: {  	s1 =	sld [smem:$0x3F94];
	s0 =	simm.s32 @p0 $0x1  }
0x13: {  	[smem:$0x3FAF] =	sst s0;
	s0 =	simm.s32 @!p1 $0x0  }
0x14: {  	s2 =	sld [smem:$0x3F93];
	s0 =	simm.s32 @p1 $0x1  }
0x15: {  	[smem:$0x3FB0] =	sst s0;
	s0 =	simm.s32 @!p2 $0x0  }
0x16: {  	s3 =	sld [smem:$0x3FDB];
	s0 =	simm.s32 @p2 $0x1  }
0x17: {  	s4 =	simm.s32 $0x1BF5;
	[smem:$0x3FB2] =	sst s0  }
0x18: {  	s0 =	sld [smem:$0x3F95];
	_ =	swait.ge [sflag:s4], $0x0  }
0x19: {  	s7 =	sld [smem:$0x3F96]  }
0x1a: {  	s8 =	sadd.s32 $0xFFFFE003, lr  }
0x1b: {  	s9 =	sadd.s32 $0xFFFFFEF7, lr;
	s5 =	simm.s32 $0xFFFFFFFF;
	p2 =	slt.u32 s8, $0xFFFFF086  }
0x1c: {  	p1 =	slt.u32 s9, $0xF7A;
	s5 =	simm.s32 @!p2 $0x0  }
0x1d: {  	s5 =	simm.s32 @p1 $0x1;
	p0 =	seq.s32 s7, s2  }
0x1e: {  	s7 =	smul.u32 @!p0 $0xF7A, s2;
	p2 =	seq.s32 @!p0 s5, $0x0  }
0x1f: {  	s9 =	smul.u32 $0xF7A, s1;
	s8 =	simm.s32 @!p0 $0x1BF5;
	p2 =	por !p2, p0  }
0x20: {  	[sflag:s8] =	ssyncset.s32 @!p0 $0xFFFFF086;
	s6 =	sadd.s32 @!p0 s3, s7;
	s7 =	simm.s32 @!p0 $0x108  }
0x21: {  	s3 =	sadd.s32 s3, s9;
	s6 =	sadd.s32 @!p0 $0x88, s6;
	s7 =	simm.s32 @p2 $0x1082  }
0x22: {  	[simem:s7], [sflag:s8] =	dma.local @!p0 [hbm:s6], $0xF7A  }
0x23: {  	s9 =	sor.u32 $0xD0000000, s2;
	s6 =	simm.s32 $0x108;
	_ =	swait.ge @!p0 [sflag:s8], $0x0  }
0x24: {  	s3 =	sadd.s32 $0x88, s3;
	s6 =	simm.s32 @!p1 $0x1082;
	[sflag:s4] =	ssyncset.s32 $0xFFFFF086  }
0x25: {  	[simem:s6], [sflag:s4] =	dma.local [hbm:s3], $0xF7A  }
0x26: {  	[smem:$0x3F96] =	sst s1;
	(tag) =	ssettag s2;
	_ =	strace s9  }
0x27: {  	s1 =	sld [smem:$0x3FA6]  }
0x28: {  	s2 =	sld [smem:$0x3FA7]  }
0x29: {  	s4 =	sld [smem:$0x3FA9]  }
0x2a: {  	p0 =	seq.s32 s5, $0x0;
	s5 =	sld [smem:$0x3FAA]  }
0x2b: {  	s6 =	sld [smem:$0x3FAB]  }
0x2c: {  	s7 =	sld [smem:$0x3FAC]  }
0x2d: {  	s3 =	simm.s32 $0x108;
	s8 =	sld [smem:$0x3FAD]  }
0x2e: {  	s3 =	simm.s32 @!p0 $0x1082;
	s9 =	sld [smem:$0x3FAE]  }
0x2f: {  	lr =	sadd.s32 s0, s3;
	s0 =	sld [smem:$0x3FA5]  }
0x30: {  	s3 =	sld [smem:$0x3FA8]  }
0x31: {  	[smem:$0x3FB1] =	sst s10  }
0x32: {  	s10 =	sld [smem:$0x3FAF];
	_ =	sdelay $0x3  }
0x33: {  	p0 =	seq.s32 s10, $0x1;
	s10 =	sld [smem:$0x3FB1];
	_ =	sdelay $0x3  }
0x34: {  	[smem:$0x3FB1] =	sst s10  }
0x35: {  	s10 =	sld [smem:$0x3FB0];
	_ =	sdelay $0x3  }
0x36: {  	p1 =	seq.s32 s10, $0x1;
	s10 =	sld [smem:$0x3FB1];
	_ =	sdelay $0x3  }
0x37: {  	[smem:$0x3FB1] =	sst s10  }
0x38: {  	s10 =	sld [smem:$0x3FB2]  }
0x39: {  	_ = 	snop;
	(pc) =	sbr.ind lr, $3  }
0x3a: {  	_ = 	snop  }
0x3b: {  	_ = 	snop  }
0x3c: {  	p2 =	seq.s32 s10, $0x1;
	s10 =	sld [smem:$0x3FB1]  }
0x3d: {  	_ =	shalt  }
0x3e: {  	_ =	shalt  }
0x3f: {  	_ =	shalt  }
0x40: {  	_ =	shalt  }
0x41: {  	_ =	shalt  }
0x42: {  	_ =	shalt  }
0x43: {  	_ =	shalt  }
0x44: {  	_ =	shalt  }
0x45: {  	_ =	shalt  }
0x46: {  	_ =	shalt  }
0x47: {  	_ =	shalt  }
0x48: {  	_ =	shalt  }
0x49: {  	_ =	shalt  }
0x4a: {  	_ =	shalt  }
0x4b: {  	_ =	shalt  }
0x4c: {  	_ =	shalt  }
0x4d: {  	_ =	shalt  }
0x4e: {  	_ =	shalt  }
0x4f: {  	_ =	shalt  }
0x50: {  	_ =	shalt  }
0x51: {  	_ =	shalt  }
0x52: {  	_ =	shalt  }
0x53: {  	_ =	shalt  }
0x54: {  	_ =	shalt  }
0x55: {  	_ =	shalt  }
0x56: {  	_ =	shalt  }
0x57: {  	_ =	shalt  }
0x58: {  	_ =	shalt  }
0x59: {  	_ =	shalt  }
0x5a: {  	_ =	shalt  }
0x5b: {  	_ =	shalt  }
0x5c: {  	_ =	shalt  }
0x5d: {  	_ =	shalt  }
0x5e: {  	_ =	shalt  }
0x5f: {  	_ =	shalt  }
0x60: {  	_ =	shalt  }
0x61: {  	_ =	shalt  }
0x62: {  	_ =	shalt  }
0x63: {  	_ =	shalt  }
0x64: {  	_ =	shalt  }
0x65: {  	_ =	shalt  }
0x66: {  	_ =	shalt  }
0x67: {  	_ =	shalt  }
0x68: {  	_ =	shalt  }
0x69: {  	_ =	shalt  }
0x6a: {  	_ =	shalt  }
0x6b: {  	_ =	shalt  }
0x6c: {  	_ =	shalt  }
0x6d: {  	_ =	shalt  }
0x6e: {  	_ =	shalt  }
0x6f: {  	_ =	shalt  }
0x70: {  	_ =	shalt  }
0x71: {  	_ =	shalt  }
0x72: {  	_ =	shalt  }
0x73: {  	_ =	shalt  }
0x74: {  	_ =	shalt  }
0x75: {  	_ =	shalt  }
0x76: {  	_ =	shalt  }
0x77: {  	_ =	shalt  }
0x78: {  	_ =	shalt  }
0x79: {  	_ =	shalt  }
0x7a: {  	_ =	shalt  }
0x7b: {  	_ =	shalt  }
0x7c: {  	_ =	shalt  }
0x7d: {  	_ =	shalt  }
0x7e: {  	_ =	shalt  }
0x7f: {  	_ =	shalt  }
0x80: {  	_ =	shalt  }
0x81: {  	_ =	shalt  }
0x82: {  	_ =	shalt  }
0x83: {  	_ =	shalt  }
0x84: {  	_ =	shalt  }
0x85: {  	_ =	shalt  }
0x86: {  	_ =	shalt  }
0x87: {  	_ =	shalt  }
.Lfunc_end0:
.L_simem_size_0:
called_computation_lowered:
.L_overlay_start_0:
0x88: {  	s2 =	sld [smem:$0x3FD9]  }
0x89: {  	s3 =	sld [smem:$0x3FFE];
	_ =	sdelay $0x1  }
0x8a: {  	s1 =	srdreg.scid  }
0x8b: {  	s0 =	sand.u32 $0x1, s1  }
0x8c: {  	s17 =	sshll.u32 s0, $0xA;
	s2 =	sadd.s32 s3, s2  }
0x8d: {  	s2 =	sadd.s32 s2, s17  }
0x8e: {  	[smem:$0x3FBD] =	sst s2  }
0x8f: {  	_ = 	snop  }
0x90: {  	s2 =	sld [smem:$0x3FD0];
	(tm) =	ssettm $0x1  }
0x91: {  	s18 =	sld [smem:$0x3FFB];
	_ =	sdelay $0x3  }
0x92: {  	_ =	strace s18  }
0x93: {  	s3 =	sld [smem:$0x3FFC];
	_ =	sdelay $0x3  }
0x94: {  	_ =	strace s3  }
0x95: {  	s3 =	sld [smem:$0x3FFD];
	_ =	sdelay $0x3  }
0x96: {  	_ =	strace s3  }
0x97: {  	_ =	strace $0x8FFFFFFF  }
0x98: {  	s19 =	sld [smem:$0x3FDB];
	_ =	sdelay $0x1  }
0x99: {  	s4 =	simm.s32 $_scs_section_size  }
0x9a: {  	s5 =	simm.s32 $_size__tile_overlayer_lowered;
	s6 =	simm.s32 $_tile_overlayer_lowered  }
0x9b: {  	s22 =	simm.s32 $0x1BFF;
	s21 =	sshll.u32 s6, $0x1;
	s3 =	sadd.s32 s4, s19  }
0x9c: {  	s7 =	simm.s32 $0x0;
	s20 =	sshll.u32 s5, $0x1;
	s5 =	sadd.s32 s21, s3  }
0x9d: {  	[timem:s7], [sflag:s22] =	dma.local [hbm:s5], s20  }
0x9e: {  	_ =	swait.ge [sflag:s22], s20  }
0x9f: {  	s4 =	ssub.s32 $0x0, s20;
	[sflag:s22] =	ssyncset.done $0x0  }
0xa0: {  	[sflag:s22] =	ssyncadd.s32 s4;
	_ =	sdelay $0x1  }
0xa1: {  	s23 =	simm.s32 $0x1B8B  }
0xa2: {  	_ =	swait.ge [sflag:s23], $0x1  }
0xa3: {  	[sflag:s23] =	ssyncset.done $0x0  }
0xa4: {  	s25 =	simm.s32 $0x1B8E;
	s24 =	sld [smem:$0x3FFE];
	[sflag:s23] =	ssyncadd.s32 $0xFFFFFFFF  }
0xa5: {  	s26 =	simm.s32 $execute0_lowered;
	[smem:$0x3FD2] =	sst s25  }
0xa6: {  	s5 =	sshll.u32 s26, $0x1;
	_ =	strace $0x80000046;
	[dreg:$0x1] =	wrdreg $0xFFFFFFFF  }
0xa7: {  	s28 =	simm.s32 $_size_execute0_lowered;
	s3 =	sadd.s32 s3, s5;
	[dreg:$0x0] =	wrdreg $0x0  }
0xa8: {  	s5 =	sshll.u32 s28, $0x1;
	[dreg:$0x2] =	wrdreg s3  }
0xa9: {  	[dreg:$0x3] =	wrdreg s5  }
0xaa: {  	[dreg:$0x4] =	wrdreg $0xC0  }
0xab: {  	_ =	task [dreg:s7], $0x5FFFF  }
0xac: {  	[dreg:$0x1] =	wrdreg $0xFFFFFFFF  }
0xad: {  	[dreg:$0x0] =	wrdreg $0x60  }
0xae: {  	[dreg:$0x2] =	wrdreg s24  }
0xaf: {  	[dreg:$0x3] =	wrdreg s2  }
0xb0: {  	[dreg:$0x4] =	wrdreg $0x9  }
0xb1: {  	_ =	task.clear_ibuf [dreg:s7], $0x5FFFF;
	_ =	strace $0x90000046  }
0xb2: {  	s29 =	simm.s32 $0x9;
	_ =	strace $0x80000048  }
0xb3: {  	_ =	swait.ge [sflag:s29], $0x1  }
0xb4: {  	[sflag:s29] =	ssyncadd.s32 $0xFFFFFFFF  }
0xb5: {  	_ =	strace $0x90000048  }
0xb6: {  	_ =	sfence  }
0xb7: {  	s30 =	sld [smem:$0x0];
	_ =	sdelay $0x2  }
0xb8: {  	s31 =	sshll.u32 s1, $0xD;
	s1 =	sshrl.u32 s1, $0x2  }
0xb9: {  	s3 =	sand.u32 $0x4000, s31;
	s1 =	sadd.s32 s1, s30  }
0xba: {  	s0 =	sor.u32 s3, s0;
	s1 =	sshll.u32 s1, $0x11  }
0xbb: {  	s0 =	sor.u32 s1, s0  }
0xbc: {  	s0 =	sadd.s32 $0x8F2B, s0  }
0xbd: {  	[sflag:s0] =	ssyncadd.remote.s32 $0x1  }
0xbe: {  	_ =	sfence.sel $0xFFFF  }
0xbf: {  	[dreg:$0x0] =	wrdreg $0xFFFFFFFF;
	(pc) =	sbr.abs _section_cstart, $3  }
0xc0: {  	[dreg:$0x1] =	wrdreg $0xFFFFFFFF  }
0xc1: {  	_ =	task.clear_ibuf [dreg:s7], $0x2FFFF;
	_ =	strace $0x9FFFFFFF  }
0xc2: {  	(tm) =	ssettm $0x7FFFFFFF  }
0xc3: {  	_ =	shalt  }
tec
execute0_lowered:
.L_overlay_start_1:
0x0: {  	(tag) =	ssettag $0x1  }
0x1: {  	s0 =	rddreg [dreg:$0x0]  }
0x2: {  	s1 =	rddreg [dreg:$0x1];
	s3 =	srdreg.scid  }
0x3: {  	s5 =	stileid.u32;
	s2 =	simm.s32 $0x0;
	s26 =	simm.s32 $0x10000  }
0x4: {  	s12 =	simm.s32 $0x1;
	s15 =	simm.s32 $0x1000;
	s16 =	simm.s32 $0x1800  }
0x5: {  	s17 =	simm.s32 $0x2000;
	s18 =	simm.s32 $0x2800;
	s19 =	simm.s32 $0x3000  }
0x6: {  	s28 =	simm.s32 $0x7000;
	s29 =	simm.s32 $0x7800;
	s30 =	simm.s32 $0x8000  }
0x7: {  	s31 =	simm.s32 $0x8800;
	s7 =	simm.s32 $0xA000;
	s8 =	simm.s32 $0xA800  }
0x8: {  	s9 =	simm.s32 $0xB000;
	s10 =	simm.s32 $0xB800;
	s11 =	simm.s32 $0xC000  }
0x9: {  	s4 =	sand.u32 $0x1, s3;
	s20 =	sshll.u32 s5, $0x1;
	[smem:$0x7FF] =	sst s2  }
0xa: {  	s3 =	sor.u32 s4, s20;
	_ =	strace $0x80000047;
	s4 =	ssub.s32 $0x2, s4  }
0xb: {  	[dreg:$0x6] =	wrdreg s26;
	s20 =	simm.s32 $0x3800;
	s26 =	simm.s32 $0x6800  }
0xc: {  	s21 =	sshll.u32 s3, $0xE;
	s6 =	sshll.u32 s3, $0x5;
	s3 =	sadd.s32 $0x82400, s0  }
0xd: {  	s23 =	sshrl.u32 s4, $0x1;
	s5 =	sadd.s32 s21, s0;
	s1 =	sadd.s32 s1, s6  }
0xe: {  	s25 =	ssub.s32 s4, s23;
	s4 =	sadd.s32 $0x82500, s0;
	s6 =	simm.s32 $0x2  }
0xf: {  	s21 =	simm.s32 $0x4000;
	s23 =	simm.s32 $0x5000;
	[dreg:$0x3] =	wrdreg s1  }
0x10: {  	v2 =	vlaneseq.u32;
	s22 =	sadd.s32 $0x2400, s5;
	s24 =	sadd.s32 $0x4400, s5;
	s5 =	smax.u32 s25, $0x1  }
0x11: {  	vm0 =	vmmov $0xffff;
	v1 =	vshrl.u32 v2, $0x3;
	s25 =	simm.s32 $0x6000;
	s1 =	simm.s32 $0x9800;
	[dreg:$0x4] =	wrdreg s22  }
0x12: {  	v0 =	vand.u32 $0x7, v2;
	v2 =	vor.u32 $0x8, v2;
	v1 =	vmul.u32 $0x8, v1;
	[dreg:$0x5] =	wrdreg s24;
	s22 =	simm.s32 $0x4800;
	s24 =	simm.s32 $0x5800  }
.LBB2_1:
0x13: {  	s13 =	rddreg [dreg:$0x3]  }
0x14: {  	s14 =	rddreg [dreg:$0x6]  }
0x15: {  	[tilespmem:s14], [sflag:$0x2] =	stream.linear.gather [hbm4b:s13+s2], $0x100, $0x38;
	[tilespmem:$0x10100] =	vst v63  }
0x16: {  	_ =	swait.ge [sflag:s6], $0x100  }
0x17: {  	[sflag:s6] =	ssyncset.done $0x0  }
0x18: {  	s0 =	rddreg [dreg:$0x4];
	[sflag:s6] =	ssyncadd.s32 $0xFFFFFF00  }
0x19: {  	[tilespmem:s2], [sflag:$0x2] =	stream.linear.gather [hbm4b:s0+s2], $0x10000, $0x38;
	[tilespmem:$0x10100] =	vst v63  }
0x1a: {  	_ =	swait.ge [sflag:s6], $0x10000  }
0x1b: {  	[sflag:s6] =	ssyncset.done $0x0  }
0x1c: {  	[sflag:s6] =	ssyncadd.s32 $0xFFFF0000  }
0x1d: {  	v3 =	vld [tilespmem:$0x10000];
	_ =	sdelay $0x4  }
0x1e: {  	v4 =	vshll.u32 v3, $0x2  }
0x1f: {  	v3 =	vand.u32 $0x7, v3;
	v4 =	vand.u32 $0xFFFFFFE0, v4  }
0x20: {  	v3 =	vor.u32 v3, v4  }
0x21: {  	v4 =	vperm.xlane v3, v0;
	_ =	sdelay $0x1  }
0x22: {  	v4 =	vadd.s32 v1, v4;
	_ =	sdelay $0x1  }
0x23: {  	v3 =	vperm.xlane v3, v2;
	_ =	sdelay $0x1  }
0x24: {  	v3 =	vadd.s32 v1, v3  }
0x25: {  	[hbm4b:s3+s2] =	stream.indirect_vreg.scatter [tilespmem:s2], [sflag:$0x1], $0x80, v4, vm0, $0xb8;
	[tilespmem:$0x10100] =	vst v63  }
0x26: {  	s14 =	simm.s32 $0x800  }
0x27: {  	[hbm4b:s4+s2] =	stream.indirect_vreg.scatter [tilespmem:s14], [sflag:$0x1], $0x80, v4, vm0, $0xb8;
	[tilespmem:$0x10100] =	vst v63  }
0x28: {  	_ = 	snop  }
0x29: {  	[hbm4b:s3+s2] =	stream.indirect_vreg.scatter [tilespmem:s15], [sflag:$0x1], $0x80, v3, vm0, $0xb8;
	[tilespmem:$0x10100] =	vst v63  }
0x2a: {  	_ = 	snop  }
0x2b: {  	[hbm4b:s4+s2] =	stream.indirect_vreg.scatter [tilespmem:s16], [sflag:$0x1], $0x80, v3, vm0, $0xb8;
	[tilespmem:$0x10100] =	vst v63  }
0x2c: {  	v3 =	vld [tilespmem:$0x10010];
	_ =	sdelay $0x4  }
0x2d: {  	v49 =	vshll.u32 v3, $0x2  }
0x2e: {  	v3 =	vand.u32 $0x7, v3;
	v4 =	vand.u32 $0xFFFFFFE0, v49  }
0x2f: {  	v3 =	vor.u32 v3, v4  }
0x30: {  	v4 =	vperm.xlane v3, v0;
	_ =	sdelay $0x1  }
0x31: {  	v4 =	vadd.s32 v1, v4;
	_ =	sdelay $0x1  }
0x32: {  	v3 =	vperm.xlane v3, v2;
	_ =	sdelay $0x1  }
0x33: {  	v3 =	vadd.s32 v1, v3  }
0x34: {  	[hbm4b:s3+s2] =	stream.indirect_vreg.scatter [tilespmem:s17], [sflag:$0x1], $0x80, v4, vm0, $0xb8;
	[tilespmem:$0x10100] =	vst v63  }
0x35: {  	_ = 	snop  }
0x36: {  	[hbm4b:s4+s2] =	stream.indirect_vreg.scatter [tilespmem:s18], [sflag:$0x1], $0x80, v4, vm0, $0xb8;
	[tilespmem:$0x10100] =	vst v63  }
0x37: {  	_ = 	snop  }
0x38: {  	[hbm4b:s3+s2] =	stream.indirect_vreg.scatter [tilespmem:s19], [sflag:$0x1], $0x80, v3, vm0, $0xb8;
	[tilespmem:$0x10100] =	vst v63  }
0x39: {  	_ = 	snop  }
0x3a: {  	[hbm4b:s4+s2] =	stream.indirect_vreg.scatter [tilespmem:s20], [sflag:$0x1], $0x80, v3, vm0, $0xb8;
	[tilespmem:$0x10100] =	vst v63  }
0x3b: {  	v3 =	vld [tilespmem:$0x10020];
	_ =	sdelay $0x4  }
0x3c: {  	v50 =	vshll.u32 v3, $0x2  }
0x3d: {  	v3 =	vand.u32 $0x7, v3;
	v4 =	vand.u32 $0xFFFFFFE0, v50  }
0x3e: {  	v3 =	vor.u32 v3, v4  }
0x3f: {  	v4 =	vperm.xlane v3, v0;
	_ =	sdelay $0x1  }
0x40: {  	v4 =	vadd.s32 v1, v4;
	_ =	sdelay $0x1  }
0x41: {  	v3 =	vperm.xlane v3, v2;
	_ =	sdelay $0x1  }
0x42: {  	v3 =	vadd.s32 v1, v3  }
0x43: {  	[hbm4b:s3+s2] =	stream.indirect_vreg.scatter [tilespmem:s21], [sflag:$0x1], $0x80, v4, vm0, $0xb8;
	[tilespmem:$0x10100] =	vst v63  }
0x44: {  	_ = 	snop  }
0x45: {  	[hbm4b:s4+s2] =	stream.indirect_vreg.scatter [tilespmem:s22], [sflag:$0x1], $0x80, v4, vm0, $0xb8;
	[tilespmem:$0x10100] =	vst v63  }
0x46: {  	_ = 	snop  }
0x47: {  	[hbm4b:s3+s2] =	stream.indirect_vreg.scatter [tilespmem:s23], [sflag:$0x1], $0x80, v3, vm0, $0xb8;
	[tilespmem:$0x10100] =	vst v63  }
0x48: {  	_ = 	snop  }
0x49: {  	[hbm4b:s4+s2] =	stream.indirect_vreg.scatter [tilespmem:s24], [sflag:$0x1], $0x80, v3, vm0, $0xb8;
	[tilespmem:$0x10100] =	vst v63  }
0x4a: {  	v3 =	vld [tilespmem:$0x10030];
	_ =	sdelay $0x4  }
0x4b: {  	v51 =	vshll.u32 v3, $0x2  }
0x4c: {  	v3 =	vand.u32 $0x7, v3;
	v4 =	vand.u32 $0xFFFFFFE0, v51  }
0x4d: {  	v3 =	vor.u32 v3, v4  }
0x4e: {  	v4 =	vperm.xlane v3, v0;
	_ =	sdelay $0x1  }
0x4f: {  	v4 =	vadd.s32 v1, v4;
	_ =	sdelay $0x1  }
0x50: {  	v3 =	vperm.xlane v3, v2;
	_ =	sdelay $0x1  }
0x51: {  	v3 =	vadd.s32 v1, v3  }
0x52: {  	[hbm4b:s3+s2] =	stream.indirect_vreg.scatter [tilespmem:s25], [sflag:$0x1], $0x80, v4, vm0, $0xb8;
	[tilespmem:$0x10100] =	vst v63  }
0x53: {  	_ = 	snop  }
0x54: {  	[hbm4b:s4+s2] =	stream.indirect_vreg.scatter [tilespmem:s26], [sflag:$0x1], $0x80, v4, vm0, $0xb8;
	[tilespmem:$0x10100] =	vst v63  }
0x55: {  	_ = 	snop  }
0x56: {  	[hbm4b:s3+s2] =	stream.indirect_vreg.scatter [tilespmem:s28], [sflag:$0x1], $0x80, v3, vm0, $0xb8;
	[tilespmem:$0x10100] =	vst v63  }
0x57: {  	_ = 	snop  }
0x58: {  	[hbm4b:s4+s2] =	stream.indirect_vreg.scatter [tilespmem:s29], [sflag:$0x1], $0x80, v3, vm0, $0xb8;
	[tilespmem:$0x10100] =	vst v63  }
0x59: {  	v3 =	vld [tilespmem:$0x10040];
	_ =	sdelay $0x4  }
0x5a: {  	v52 =	vshll.u32 v3, $0x2  }
0x5b: {  	v3 =	vand.u32 $0x7, v3;
	v4 =	vand.u32 $0xFFFFFFE0, v52  }
0x5c: {  	v3 =	vor.u32 v3, v4  }
0x5d: {  	v4 =	vperm.xlane v3, v0;
	_ =	sdelay $0x1  }
0x5e: {  	v4 =	vadd.s32 v1, v4;
	_ =	sdelay $0x1  }
0x5f: {  	v3 =	vperm.xlane v3, v2;
	_ =	sdelay $0x1  }
0x60: {  	v3 =	vadd.s32 v1, v3  }
0x61: {  	[hbm4b:s3+s2] =	stream.indirect_vreg.scatter [tilespmem:s30], [sflag:$0x1], $0x80, v4, vm0, $0xb8;
	[tilespmem:$0x10100] =	vst v63  }
0x62: {  	_ = 	snop  }
0x63: {  	[hbm4b:s4+s2] =	stream.indirect_vreg.scatter [tilespmem:s31], [sflag:$0x1], $0x80, v4, vm0, $0xb8;
	[tilespmem:$0x10100] =	vst v63  }
0x64: {  	s0 =	simm.s32 $0x9000  }
0x65: {  	[hbm4b:s3+s2] =	stream.indirect_vreg.scatter [tilespmem:s0], [sflag:$0x1], $0x80, v3, vm0, $0xb8;
	[tilespmem:$0x10100] =	vst v63  }
0x66: {  	_ = 	snop  }
0x67: {  	[hbm4b:s4+s2] =	stream.indirect_vreg.scatter [tilespmem:s1], [sflag:$0x1], $0x80, v3, vm0, $0xb8;
	[tilespmem:$0x10100] =	vst v63  }
0x68: {  	v3 =	vld [tilespmem:$0x10050];
	_ =	sdelay $0x4  }
0x69: {  	v53 =	vshll.u32 v3, $0x2  }
0x6a: {  	v3 =	vand.u32 $0x7, v3;
	v4 =	vand.u32 $0xFFFFFFE0, v53  }
0x6b: {  	v3 =	vor.u32 v3, v4  }
0x6c: {  	v4 =	vperm.xlane v3, v0;
	_ =	sdelay $0x1  }
0x6d: {  	v4 =	vadd.s32 v1, v4;
	_ =	sdelay $0x1  }
0x6e: {  	v3 =	vperm.xlane v3, v2;
	_ =	sdelay $0x1  }
0x6f: {  	v3 =	vadd.s32 v1, v3  }
0x70: {  	[hbm4b:s3+s2] =	stream.indirect_vreg.scatter [tilespmem:s7], [sflag:$0x1], $0x80, v4, vm0, $0xb8;
	[tilespmem:$0x10100] =	vst v63  }
0x71: {  	_ = 	snop  }
0x72: {  	[hbm4b:s4+s2] =	stream.indirect_vreg.scatter [tilespmem:s8], [sflag:$0x1], $0x80, v4, vm0, $0xb8;
	[tilespmem:$0x10100] =	vst v63  }
0x73: {  	_ = 	snop  }
0x74: {  	[hbm4b:s3+s2] =	stream.indirect_vreg.scatter [tilespmem:s9], [sflag:$0x1], $0x80, v3, vm0, $0xb8;
	[tilespmem:$0x10100] =	vst v63  }
0x75: {  	_ = 	snop  }
0x76: {  	[hbm4b:s4+s2] =	stream.indirect_vreg.scatter [tilespmem:s10], [sflag:$0x1], $0x80, v3, vm0, $0xb8;
	[tilespmem:$0x10100] =	vst v63  }
0x77: {  	v3 =	vld [tilespmem:$0x10060];
	_ =	sdelay $0x4  }
0x78: {  	v54 =	vshll.u32 v3, $0x2  }
0x79: {  	v3 =	vand.u32 $0x7, v3;
	v4 =	vand.u32 $0xFFFFFFE0, v54  }
0x7a: {  	v3 =	vor.u32 v3, v4  }
0x7b: {  	v4 =	vperm.xlane v3, v0;
	_ =	sdelay $0x1  }
0x7c: {  	v4 =	vadd.s32 v1, v4;
	_ =	sdelay $0x1  }
0x7d: {  	v3 =	vperm.xlane v3, v2;
	_ =	sdelay $0x1  }
0x7e: {  	v3 =	vadd.s32 v1, v3  }
0x7f: {  	[hbm4b:s3+s2] =	stream.indirect_vreg.scatter [tilespmem:s11], [sflag:$0x1], $0x80, v4, vm0, $0xb8;
	[tilespmem:$0x10100] =	vst v63  }
0x80: {  	s13 =	simm.s32 $0xC800  }
0x81: {  	[hbm4b:s4+s2] =	stream.indirect_vreg.scatter [tilespmem:s13], [sflag:$0x1], $0x80, v4, vm0, $0xb8;
	[tilespmem:$0x10100] =	vst v63  }
0x82: {  	s13 =	simm.s32 $0xD000  }
0x83: {  	[hbm4b:s3+s2] =	stream.indirect_vreg.scatter [tilespmem:s13], [sflag:$0x1], $0x80, v3, vm0, $0xb8;
	[tilespmem:$0x10100] =	vst v63  }
0x84: {  	s13 =	simm.s32 $0xD800  }
0x85: {  	[hbm4b:s4+s2] =	stream.indirect_vreg.scatter [tilespmem:s13], [sflag:$0x1], $0x80, v3, vm0, $0xb8;
	[tilespmem:$0x10100] =	vst v63  }
0x86: {  	v3 =	vld [tilespmem:$0x10070];
	_ =	sdelay $0x4  }
0x87: {  	v55 =	vshll.u32 v3, $0x2  }
0x88: {  	v3 =	vand.u32 $0x7, v3;
	v4 =	vand.u32 $0xFFFFFFE0, v55  }
0x89: {  	v3 =	vor.u32 v3, v4  }
0x8a: {  	v4 =	vperm.xlane v3, v0;
	_ =	sdelay $0x1  }
0x8b: {  	v4 =	vadd.s32 v1, v4;
	_ =	sdelay $0x1  }
0x8c: {  	v3 =	vperm.xlane v3, v2;
	_ =	sdelay $0x1  }
0x8d: {  	s13 =	simm.s32 $0xE000;
	v3 =	vadd.s32 v1, v3  }
0x8e: {  	[hbm4b:s3+s2] =	stream.indirect_vreg.scatter [tilespmem:s13], [sflag:$0x1], $0x80, v4, vm0, $0xb8;
	[tilespmem:$0x10100] =	vst v63  }
0x8f: {  	s13 =	simm.s32 $0xE800  }
0x90: {  	[hbm4b:s4+s2] =	stream.indirect_vreg.scatter [tilespmem:s13], [sflag:$0x1], $0x80, v4, vm0, $0xb8;
	[tilespmem:$0x10100] =	vst v63  }
0x91: {  	s13 =	simm.s32 $0xF000  }
0x92: {  	[hbm4b:s3+s2] =	stream.indirect_vreg.scatter [tilespmem:s13], [sflag:$0x1], $0x80, v3, vm0, $0xb8;
	[tilespmem:$0x10100] =	vst v63  }
0x93: {  	s13 =	simm.s32 $0xF800  }
0x94: {  	[hbm4b:s4+s2] =	stream.indirect_vreg.scatter [tilespmem:s13], [sflag:$0x1], $0x80, v3, vm0, $0xb8;
	[tilespmem:$0x10100] =	vst v63  }
0x95: {  	_ =	swait.ge [sflag:s12], $0x10000  }
0x96: {  	[sflag:s12] =	ssyncset.done $0x0  }
0x97: {  	s13 =	rddreg [dreg:$0x5];
	[sflag:s12] =	ssyncadd.s32 $0xFFFF0000  }
0x98: {  	[tilespmem:s2], [sflag:$0x2] =	stream.linear.gather [hbm4b:s13+s2], $0x10000, $0x38;
	[tilespmem:$0x10100] =	vst v63  }
0x99: {  	_ =	swait.ge [sflag:s6], $0x10000  }
0x9a: {  	[sflag:s6] =	ssyncset.done $0x0  }
0x9b: {  	[sflag:s6] =	ssyncadd.s32 $0xFFFF0000  }
0x9c: {  	v3 =	vld [tilespmem:$0x10080];
	_ =	sdelay $0x4  }
0x9d: {  	v56 =	vshll.u32 v3, $0x2  }
0x9e: {  	v3 =	vand.u32 $0x7, v3;
	v4 =	vand.u32 $0xFFFFFFE0, v56  }
0x9f: {  	v3 =	vor.u32 v3, v4  }
0xa0: {  	v4 =	vperm.xlane v3, v0;
	_ =	sdelay $0x1  }
0xa1: {  	v4 =	vadd.s32 v1, v4;
	_ =	sdelay $0x1  }
0xa2: {  	v3 =	vperm.xlane v3, v2;
	_ =	sdelay $0x1  }
0xa3: {  	v3 =	vadd.s32 v1, v3  }
0xa4: {  	[hbm4b:s3+s2] =	stream.indirect_vreg.scatter [tilespmem:s2], [sflag:$0x1], $0x80, v4, vm0, $0xb8;
	[tilespmem:$0x10100] =	vst v63  }
0xa5: {  	_ = 	snop  }
0xa6: {  	[hbm4b:s4+s2] =	stream.indirect_vreg.scatter [tilespmem:s14], [sflag:$0x1], $0x80, v4, vm0, $0xb8;
	[tilespmem:$0x10100] =	vst v63  }
0xa7: {  	_ = 	snop  }
0xa8: {  	[hbm4b:s3+s2] =	stream.indirect_vreg.scatter [tilespmem:s15], [sflag:$0x1], $0x80, v3, vm0, $0xb8;
	[tilespmem:$0x10100] =	vst v63  }
0xa9: {  	_ = 	snop  }
0xaa: {  	[hbm4b:s4+s2] =	stream.indirect_vreg.scatter [tilespmem:s16], [sflag:$0x1], $0x80, v3, vm0, $0xb8;
	[tilespmem:$0x10100] =	vst v63  }
0xab: {  	v3 =	vld [tilespmem:$0x10090];
	_ =	sdelay $0x4  }
0xac: {  	v57 =	vshll.u32 v3, $0x2  }
0xad: {  	v3 =	vand.u32 $0x7, v3;
	v4 =	vand.u32 $0xFFFFFFE0, v57  }
0xae: {  	v3 =	vor.u32 v3, v4  }
0xaf: {  	v4 =	vperm.xlane v3, v0;
	_ =	sdelay $0x1  }
0xb0: {  	v4 =	vadd.s32 v1, v4;
	_ =	sdelay $0x1  }
0xb1: {  	v3 =	vperm.xlane v3, v2;
	_ =	sdelay $0x1  }
0xb2: {  	v3 =	vadd.s32 v1, v3  }
0xb3: {  	[hbm4b:s3+s2] =	stream.indirect_vreg.scatter [tilespmem:s17], [sflag:$0x1], $0x80, v4, vm0, $0xb8;
	[tilespmem:$0x10100] =	vst v63  }
0xb4: {  	_ = 	snop  }
0xb5: {  	[hbm4b:s4+s2] =	stream.indirect_vreg.scatter [tilespmem:s18], [sflag:$0x1], $0x80, v4, vm0, $0xb8;
	[tilespmem:$0x10100] =	vst v63  }
0xb6: {  	_ = 	snop  }
0xb7: {  	[hbm4b:s3+s2] =	stream.indirect_vreg.scatter [tilespmem:s19], [sflag:$0x1], $0x80, v3, vm0, $0xb8;
	[tilespmem:$0x10100] =	vst v63  }
0xb8: {  	_ = 	snop  }
0xb9: {  	[hbm4b:s4+s2] =	stream.indirect_vreg.scatter [tilespmem:s20], [sflag:$0x1], $0x80, v3, vm0, $0xb8;
	[tilespmem:$0x10100] =	vst v63  }
0xba: {  	v3 =	vld [tilespmem:$0x100A0];
	_ =	sdelay $0x4  }
0xbb: {  	v58 =	vshll.u32 v3, $0x2  }
0xbc: {  	v3 =	vand.u32 $0x7, v3;
	v4 =	vand.u32 $0xFFFFFFE0, v58  }
0xbd: {  	v3 =	vor.u32 v3, v4  }
0xbe: {  	v4 =	vperm.xlane v3, v0;
	_ =	sdelay $0x1  }
0xbf: {  	v4 =	vadd.s32 v1, v4;
	_ =	sdelay $0x1  }
0xc0: {  	v3 =	vperm.xlane v3, v2;
	_ =	sdelay $0x1  }
0xc1: {  	v3 =	vadd.s32 v1, v3  }
0xc2: {  	[hbm4b:s3+s2] =	stream.indirect_vreg.scatter [tilespmem:s21], [sflag:$0x1], $0x80, v4, vm0, $0xb8;
	[tilespmem:$0x10100] =	vst v63  }
0xc3: {  	_ = 	snop  }
0xc4: {  	[hbm4b:s4+s2] =	stream.indirect_vreg.scatter [tilespmem:s22], [sflag:$0x1], $0x80, v4, vm0, $0xb8;
	[tilespmem:$0x10100] =	vst v63  }
0xc5: {  	_ = 	snop  }
0xc6: {  	[hbm4b:s3+s2] =	stream.indirect_vreg.scatter [tilespmem:s23], [sflag:$0x1], $0x80, v3, vm0, $0xb8;
	[tilespmem:$0x10100] =	vst v63  }
0xc7: {  	_ = 	snop  }
0xc8: {  	[hbm4b:s4+s2] =	stream.indirect_vreg.scatter [tilespmem:s24], [sflag:$0x1], $0x80, v3, vm0, $0xb8;
	[tilespmem:$0x10100] =	vst v63  }
0xc9: {  	v3 =	vld [tilespmem:$0x100B0];
	_ =	sdelay $0x4  }
0xca: {  	v59 =	vshll.u32 v3, $0x2  }
0xcb: {  	v3 =	vand.u32 $0x7, v3;
	v4 =	vand.u32 $0xFFFFFFE0, v59  }
0xcc: {  	v3 =	vor.u32 v3, v4  }
0xcd: {  	v4 =	vperm.xlane v3, v0;
	_ =	sdelay $0x1  }
0xce: {  	v4 =	vadd.s32 v1, v4;
	_ =	sdelay $0x1  }
0xcf: {  	v3 =	vperm.xlane v3, v2;
	_ =	sdelay $0x1  }
0xd0: {  	v3 =	vadd.s32 v1, v3  }
0xd1: {  	[hbm4b:s3+s2] =	stream.indirect_vreg.scatter [tilespmem:s25], [sflag:$0x1], $0x80, v4, vm0, $0xb8;
	[tilespmem:$0x10100] =	vst v63  }
0xd2: {  	_ = 	snop  }
0xd3: {  	[hbm4b:s4+s2] =	stream.indirect_vreg.scatter [tilespmem:s26], [sflag:$0x1], $0x80, v4, vm0, $0xb8;
	[tilespmem:$0x10100] =	vst v63  }
0xd4: {  	_ = 	snop  }
0xd5: {  	[hbm4b:s3+s2] =	stream.indirect_vreg.scatter [tilespmem:s28], [sflag:$0x1], $0x80, v3, vm0, $0xb8;
	[tilespmem:$0x10100] =	vst v63  }
0xd6: {  	_ = 	snop  }
0xd7: {  	[hbm4b:s4+s2] =	stream.indirect_vreg.scatter [tilespmem:s29], [sflag:$0x1], $0x80, v3, vm0, $0xb8;
	[tilespmem:$0x10100] =	vst v63  }
0xd8: {  	v3 =	vld [tilespmem:$0x100C0];
	_ =	sdelay $0x4  }
0xd9: {  	v60 =	vshll.u32 v3, $0x2  }
0xda: {  	v3 =	vand.u32 $0x7, v3;
	v4 =	vand.u32 $0xFFFFFFE0, v60  }
0xdb: {  	v3 =	vor.u32 v3, v4  }
0xdc: {  	v4 =	vperm.xlane v3, v0;
	_ =	sdelay $0x1  }
0xdd: {  	v4 =	vadd.s32 v1, v4;
	_ =	sdelay $0x1  }
0xde: {  	v3 =	vperm.xlane v3, v2;
	_ =	sdelay $0x1  }
0xdf: {  	v3 =	vadd.s32 v1, v3  }
0xe0: {  	[hbm4b:s3+s2] =	stream.indirect_vreg.scatter [tilespmem:s30], [sflag:$0x1], $0x80, v4, vm0, $0xb8;
	[tilespmem:$0x10100] =	vst v63  }
0xe1: {  	_ = 	snop  }
0xe2: {  	[hbm4b:s4+s2] =	stream.indirect_vreg.scatter [tilespmem:s31], [sflag:$0x1], $0x80, v4, vm0, $0xb8;
	[tilespmem:$0x10100] =	vst v63  }
0xe3: {  	_ = 	snop  }
0xe4: {  	[hbm4b:s3+s2] =	stream.indirect_vreg.scatter [tilespmem:s0], [sflag:$0x1], $0x80, v3, vm0, $0xb8;
	[tilespmem:$0x10100] =	vst v63  }
0xe5: {  	_ = 	snop  }
0xe6: {  	[hbm4b:s4+s2] =	stream.indirect_vreg.scatter [tilespmem:s1], [sflag:$0x1], $0x80, v3, vm0, $0xb8;
	[tilespmem:$0x10100] =	vst v63  }
0xe7: {  	v3 =	vld [tilespmem:$0x100D0];
	_ =	sdelay $0x4  }
0xe8: {  	v61 =	vshll.u32 v3, $0x2  }
0xe9: {  	v3 =	vand.u32 $0x7, v3;
	v4 =	vand.u32 $0xFFFFFFE0, v61  }
0xea: {  	v3 =	vor.u32 v3, v4  }
0xeb: {  	v4 =	vperm.xlane v3, v0;
	_ =	sdelay $0x1  }
0xec: {  	v4 =	vadd.s32 v1, v4;
	_ =	sdelay $0x1  }
0xed: {  	v3 =	vperm.xlane v3, v2;
	_ =	sdelay $0x1  }
0xee: {  	v3 =	vadd.s32 v1, v3  }
0xef: {  	[hbm4b:s3+s2] =	stream.indirect_vreg.scatter [tilespmem:s7], [sflag:$0x1], $0x80, v4, vm0, $0xb8;
	[tilespmem:$0x10100] =	vst v63  }
0xf0: {  	_ = 	snop  }
0xf1: {  	[hbm4b:s4+s2] =	stream.indirect_vreg.scatter [tilespmem:s8], [sflag:$0x1], $0x80, v4, vm0, $0xb8;
	[tilespmem:$0x10100] =	vst v63  }
0xf2: {  	_ = 	snop  }
0xf3: {  	[hbm4b:s3+s2] =	stream.indirect_vreg.scatter [tilespmem:s9], [sflag:$0x1], $0x80, v3, vm0, $0xb8;
	[tilespmem:$0x10100] =	vst v63  }
0xf4: {  	_ = 	snop  }
0xf5: {  	[hbm4b:s4+s2] =	stream.indirect_vreg.scatter [tilespmem:s10], [sflag:$0x1], $0x80, v3, vm0, $0xb8;
	[tilespmem:$0x10100] =	vst v63  }
0xf6: {  	v3 =	vld [tilespmem:$0x100E0];
	_ =	sdelay $0x4  }
0xf7: {  	v62 =	vshll.u32 v3, $0x2  }
0xf8: {  	v3 =	vand.u32 $0x7, v3;
	v4 =	vand.u32 $0xFFFFFFE0, v62  }
0xf9: {  	v3 =	vor.u32 v3, v4  }
0xfa: {  	v4 =	vperm.xlane v3, v0;
	_ =	sdelay $0x1  }
0xfb: {  	v4 =	vadd.s32 v1, v4;
	_ =	sdelay $0x1  }
0xfc: {  	v3 =	vperm.xlane v3, v2;
	_ =	sdelay $0x1  }
0xfd: {  	v3 =	vadd.s32 v1, v3  }
0xfe: {  	[hbm4b:s3+s2] =	stream.indirect_vreg.scatter [tilespmem:s11], [sflag:$0x1], $0x80, v4, vm0, $0xb8;
	[tilespmem:$0x10100] =	vst v63  }
0xff: {  	s14 =	simm.s32 $0xC800  }
0x100: {  	[hbm4b:s4+s2] =	stream.indirect_vreg.scatter [tilespmem:s14], [sflag:$0x1], $0x80, v4, vm0, $0xb8;
	[tilespmem:$0x10100] =	vst v63  }
0x101: {  	s13 =	simm.s32 $0xD000  }
0x102: {  	[hbm4b:s3+s2] =	stream.indirect_vreg.scatter [tilespmem:s13], [sflag:$0x1], $0x80, v3, vm0, $0xb8;
	[tilespmem:$0x10100] =	vst v63  }
0x103: {  	s14 =	simm.s32 $0xD800  }
0x104: {  	[hbm4b:s4+s2] =	stream.indirect_vreg.scatter [tilespmem:s14], [sflag:$0x1], $0x80, v3, vm0, $0xb8;
	[tilespmem:$0x10100] =	vst v63  }
0x105: {  	v3 =	vld [tilespmem:$0x100F0];
	_ =	sdelay $0x4  }
0x106: {  	v63 =	vshll.u32 v3, $0x2  }
0x107: {  	v3 =	vand.u32 $0x7, v3;
	v4 =	vand.u32 $0xFFFFFFE0, v63  }
0x108: {  	v3 =	vor.u32 v3, v4  }
0x109: {  	v4 =	vperm.xlane v3, v0;
	_ =	sdelay $0x1  }
0x10a: {  	v4 =	vadd.s32 v1, v4;
	_ =	sdelay $0x1  }
0x10b: {  	v3 =	vperm.xlane v3, v2;
	_ =	sdelay $0x1  }
0x10c: {  	s13 =	simm.s32 $0xE000;
	v3 =	vadd.s32 v1, v3  }
0x10d: {  	[hbm4b:s3+s2] =	stream.indirect_vreg.scatter [tilespmem:s13], [sflag:$0x1], $0x80, v4, vm0, $0xb8;
	[tilespmem:$0x10100] =	vst v63  }
0x10e: {  	s14 =	simm.s32 $0xE800  }
0x10f: {  	[hbm4b:s4+s2] =	stream.indirect_vreg.scatter [tilespmem:s14], [sflag:$0x1], $0x80, v4, vm0, $0xb8;
	[tilespmem:$0x10100] =	vst v63  }
0x110: {  	p0 =	sne.s32 s5, $0x1;
	s13 =	simm.s32 $0xF000  }
0x111: {  	[hbm4b:s3+s2] =	stream.indirect_vreg.scatter [tilespmem:s13], [sflag:$0x1], $0x80, v3, vm0, $0xb8;
	[tilespmem:$0x10100] =	vst v63  }
.Ltmp0:
0x112: {  	s14 =	simm.s32 $0xF800;
	(pc) =	sbr.rel @p0 .LBB2_1-.Ltmp0, $4  }
0x113: {  	[hbm4b:s4+s2] =	stream.indirect_vreg.scatter [tilespmem:s14], [sflag:$0x1], $0x80, v3, vm0, $0xb8;
	[tilespmem:$0x10100] =	vst v63  }
0x114: {  	_ =	swait.ge [sflag:s12], $0x10000  }
0x115: {  	[sflag:s12] =	ssyncset.done $0x0  }
0x116: {  	s5 =	sadd.s32 $0xFFFFFFFF, s5;
	[sflag:s12] =	ssyncadd.s32 $0xFFFF0000  }
0x117: {  	_ =	sfence.sel $0x180000  }
0x118: {  	[bflag:$0x0] =	sbarrier.arrive $0xFFFF  }
0x119: {  	_ =	strace $0x90000047  }
0x11a: {  	s0 =	stileid.u32;
	[bflag:$0x2] =	sbarrier.arrive $0xFFFF  }
0x11b: {  	p0 =	sne.s32 s0, $0x0;
	s0 =	rddreg [dreg:$0x2]  }
0x11c: {  	s0 =	sadd.s32 @!p0 $0x100000, s0  }
0x11d: {  	[sflag:s0] =	ssyncadd.tile.s32 @!p0 $0x1;
	_ =	shalt  }
.Lfunc_end2:
_tile_overlayer_lowered:
.L_overlay_start_2:
0x11e: {  	(tag) =	ssettag $0x2  }
0x11f: {  	s0 =	rddreg [dreg:$0x0];
	s2 =	stileid.u32  }
0x120: {  	s1 =	rddreg [dreg:$0x1];
	p0 =	sne.s32 s2, $0x0  }
0x121: {  	s3 =	rddreg [dreg:$0x2];
	[bflag:$0x3] =	sbarrier.arrive $0xFFFF;
	s2 =	simm.s32 @!p0 $0x1C02  }
0x122: {  	[timem:s3], [sflag:s2] =	dma.local @!p0 [hbm:s0], s1  }
0x123: {  	s0 =	simm.s32 @!p0 $0x2  }
0x124: {  	_ =	swait.ge @!p0 [sflag:s0], s1  }
0x125: {  	s1 =	ssub.s32 @!p0 $0x0, s1;
	[sflag:s0] =	ssyncset.done @!p0 $0x0  }
0x126: {  	[sflag:s0] =	ssyncadd.s32 @!p0 s1  }
0x127: {  	[bflag:$0x3] =	sbarrier.arrive $0xFFFF  }
0x128: {  	_ =	shalt  }

// kernel: kernel.9.cloned.1.call-start
scs
__scs_entry_jumppad:
0x0: {  	(pc) =	sbr.rel $0x88, $3  }
0x1: {  	(tag) =	ssettag $0x0;
	lr =	simm.s32 $0x1  }
0x2: {  	[smem:$0x3F96] =	sst lr;
	_ =	strace $0xD0000000  }
0x3: {  	_ = 	snop  }
0x4: {  	_ = 	snop  }
0x5: {  	_ = 	snop  }
0x6: {  	_ = 	snop  }
0x7: {  	_ = 	snop  }
__scs_overlays_trampoline_lowered:
0x8: {  	[smem:$0x3FA5] =	sst s0  }
0x9: {  	[smem:$0x3FA6] =	sst s1  }
0xa: {  	[smem:$0x3FA7] =	sst s2  }
0xb: {  	[smem:$0x3FA8] =	sst s3  }
0xc: {  	[smem:$0x3FA9] =	sst s4  }
0xd: {  	[smem:$0x3FAA] =	sst s5  }
0xe: {  	[smem:$0x3FAB] =	sst s6  }
0xf: {  	[smem:$0x3FAC] =	sst s7  }
0x10: {  	[smem:$0x3FAD] =	sst s8  }
0x11: {  	[smem:$0x3FAE] =	sst s9;
	s0 =	simm.s32 @!p0 $0x0  }
0x12: {  	s1 =	sld [smem:$0x3F94];
	s0 =	simm.s32 @p0 $0x1  }
0x13: {  	[smem:$0x3FAF] =	sst s0;
	s0 =	simm.s32 @!p1 $0x0  }
0x14: {  	s2 =	sld [smem:$0x3F93];
	s0 =	simm.s32 @p1 $0x1  }
0x15: {  	[smem:$0x3FB0] =	sst s0;
	s0 =	simm.s32 @!p2 $0x0  }
0x16: {  	s3 =	sld [smem:$0x3FDB];
	s0 =	simm.s32 @p2 $0x1  }
0x17: {  	s4 =	simm.s32 $0x1BF5;
	[smem:$0x3FB2] =	sst s0  }
0x18: {  	s0 =	sld [smem:$0x3F95];
	_ =	swait.ge [sflag:s4], $0x0  }
0x19: {  	s7 =	sld [smem:$0x3F96]  }
0x1a: {  	s8 =	sadd.s32 $0xFFFFE003, lr  }
0x1b: {  	s9 =	sadd.s32 $0xFFFFFEF7, lr;
	s5 =	simm.s32 $0xFFFFFFFF;
	p2 =	slt.u32 s8, $0xFFFFF086  }
0x1c: {  	p1 =	slt.u32 s9, $0xF7A;
	s5 =	simm.s32 @!p2 $0x0  }
0x1d: {  	s5 =	simm.s32 @p1 $0x1;
	p0 =	seq.s32 s7, s2  }
0x1e: {  	s7 =	smul.u32 @!p0 $0xF7A, s2;
	p2 =	seq.s32 @!p0 s5, $0x0  }
0x1f: {  	s9 =	smul.u32 $0xF7A, s1;
	s8 =	simm.s32 @!p0 $0x1BF5;
	p2 =	por !p2, p0  }
0x20: {  	[sflag:s8] =	ssyncset.s32 @!p0 $0xFFFFF086;
	s6 =	sadd.s32 @!p0 s3, s7;
	s7 =	simm.s32 @!p0 $0x108  }
0x21: {  	s3 =	sadd.s32 s3, s9;
	s6 =	sadd.s32 @!p0 $0x88, s6;
	s7 =	simm.s32 @p2 $0x1082  }
0x22: {  	[simem:s7], [sflag:s8] =	dma.local @!p0 [hbm:s6], $0xF7A  }
0x23: {  	s9 =	sor.u32 $0xD0000000, s2;
	s6 =	simm.s32 $0x108;
	_ =	swait.ge @!p0 [sflag:s8], $0x0  }
0x24: {  	s3 =	sadd.s32 $0x88, s3;
	s6 =	simm.s32 @!p1 $0x1082;
	[sflag:s4] =	ssyncset.s32 $0xFFFFF086  }
0x25: {  	[simem:s6], [sflag:s4] =	dma.local [hbm:s3], $0xF7A  }
0x26: {  	[smem:$0x3F96] =	sst s1;
	(tag) =	ssettag s2;
	_ =	strace s9  }
0x27: {  	s1 =	sld [smem:$0x3FA6]  }
0x28: {  	s2 =	sld [smem:$0x3FA7]  }
0x29: {  	s4 =	sld [smem:$0x3FA9]  }
0x2a: {  	p0 =	seq.s32 s5, $0x0;
	s5 =	sld [smem:$0x3FAA]  }
0x2b: {  	s6 =	sld [smem:$0x3FAB]  }
0x2c: {  	s7 =	sld [smem:$0x3FAC]  }
0x2d: {  	s3 =	simm.s32 $0x108;
	s8 =	sld [smem:$0x3FAD]  }
0x2e: {  	s3 =	simm.s32 @!p0 $0x1082;
	s9 =	sld [smem:$0x3FAE]  }
0x2f: {  	lr =	sadd.s32 s0, s3;
	s0 =	sld [smem:$0x3FA5]  }
0x30: {  	s3 =	sld [smem:$0x3FA8]  }
0x31: {  	[smem:$0x3FB1] =	sst s10  }
0x32: {  	s10 =	sld [smem:$0x3FAF];
	_ =	sdelay $0x3  }
0x33: {  	p0 =	seq.s32 s10, $0x1;
	s10 =	sld [smem:$0x3FB1];
	_ =	sdelay $0x3  }
0x34: {  	[smem:$0x3FB1] =	sst s10  }
0x35: {  	s10 =	sld [smem:$0x3FB0];
	_ =	sdelay $0x3  }
0x36: {  	p1 =	seq.s32 s10, $0x1;
	s10 =	sld [smem:$0x3FB1];
	_ =	sdelay $0x3  }
0x37: {  	[smem:$0x3FB1] =	sst s10  }
0x38: {  	s10 =	sld [smem:$0x3FB2]  }
0x39: {  	_ = 	snop;
	(pc) =	sbr.ind lr, $3  }
0x3a: {  	_ = 	snop  }
0x3b: {  	_ = 	snop  }
0x3c: {  	p2 =	seq.s32 s10, $0x1;
	s10 =	sld [smem:$0x3FB1]  }
0x3d: {  	_ =	shalt  }
0x3e: {  	_ =	shalt  }
0x3f: {  	_ =	shalt  }
0x40: {  	_ =	shalt  }
0x41: {  	_ =	shalt  }
0x42: {  	_ =	shalt  }
0x43: {  	_ =	shalt  }
0x44: {  	_ =	shalt  }
0x45: {  	_ =	shalt  }
0x46: {  	_ =	shalt  }
0x47: {  	_ =	shalt  }
0x48: {  	_ =	shalt  }
0x49: {  	_ =	shalt  }
0x4a: {  	_ =	shalt  }
0x4b: {  	_ =	shalt  }
0x4c: {  	_ =	shalt  }
0x4d: {  	_ =	shalt  }
0x4e: {  	_ =	shalt  }
0x4f: {  	_ =	shalt  }
0x50: {  	_ =	shalt  }
0x51: {  	_ =	shalt  }
0x52: {  	_ =	shalt  }
0x53: {  	_ =	shalt  }
0x54: {  	_ =	shalt  }
0x55: {  	_ =	shalt  }
0x56: {  	_ =	shalt  }
0x57: {  	_ =	shalt  }
0x58: {  	_ =	shalt  }
0x59: {  	_ =	shalt  }
0x5a: {  	_ =	shalt  }
0x5b: {  	_ =	shalt  }
0x5c: {  	_ =	shalt  }
0x5d: {  	_ =	shalt  }
0x5e: {  	_ =	shalt  }
0x5f: {  	_ =	shalt  }
0x60: {  	_ =	shalt  }
0x61: {  	_ =	shalt  }
0x62: {  	_ =	shalt  }
0x63: {  	_ =	shalt  }
0x64: {  	_ =	shalt  }
0x65: {  	_ =	shalt  }
0x66: {  	_ =	shalt  }
0x67: {  	_ =	shalt  }
0x68: {  	_ =	shalt  }
0x69: {  	_ =	shalt  }
0x6a: {  	_ =	shalt  }
0x6b: {  	_ =	shalt  }
0x6c: {  	_ =	shalt  }
0x6d: {  	_ =	shalt  }
0x6e: {  	_ =	shalt  }
0x6f: {  	_ =	shalt  }
0x70: {  	_ =	shalt  }
0x71: {  	_ =	shalt  }
0x72: {  	_ =	shalt  }
0x73: {  	_ =	shalt  }
0x74: {  	_ =	shalt  }
0x75: {  	_ =	shalt  }
0x76: {  	_ =	shalt  }
0x77: {  	_ =	shalt  }
0x78: {  	_ =	shalt  }
0x79: {  	_ =	shalt  }
0x7a: {  	_ =	shalt  }
0x7b: {  	_ =	shalt  }
0x7c: {  	_ =	shalt  }
0x7d: {  	_ =	shalt  }
0x7e: {  	_ =	shalt  }
0x7f: {  	_ =	shalt  }
0x80: {  	_ =	shalt  }
0x81: {  	_ =	shalt  }
0x82: {  	_ =	shalt  }
0x83: {  	_ =	shalt  }
0x84: {  	_ =	shalt  }
0x85: {  	_ =	shalt  }
0x86: {  	_ =	shalt  }
0x87: {  	_ =	shalt  }
.Lfunc_end0:
.L_simem_size_0:
called_computation.1_lowered:
.L_overlay_start_0:
0x88: {  	s2 =	sld [smem:$0x3FD9]  }
0x89: {  	s3 =	sld [smem:$0x3FFE];
	_ =	sdelay $0x1  }
0x8a: {  	s1 =	srdreg.scid  }
0x8b: {  	s0 =	sand.u32 $0x1, s1  }
0x8c: {  	s17 =	sshll.u32 s0, $0xA;
	s2 =	sadd.s32 s3, s2  }
0x8d: {  	s2 =	sadd.s32 s2, s17  }
0x8e: {  	[smem:$0x3FBD] =	sst s2  }
0x8f: {  	_ = 	snop  }
0x90: {  	s2 =	sld [smem:$0x3FD0];
	(tm) =	ssettm $0x1  }
0x91: {  	s18 =	sld [smem:$0x3FFB];
	_ =	sdelay $0x3  }
0x92: {  	_ =	strace s18  }
0x93: {  	s3 =	sld [smem:$0x3FFC];
	_ =	sdelay $0x3  }
0x94: {  	_ =	strace s3  }
0x95: {  	s3 =	sld [smem:$0x3FFD];
	_ =	sdelay $0x3  }
0x96: {  	_ =	strace s3  }
0x97: {  	_ =	strace $0x8FFFFFFF  }
0x98: {  	s19 =	sld [smem:$0x3FDB];
	_ =	sdelay $0x1  }
0x99: {  	s4 =	simm.s32 $_scs_section_size  }
0x9a: {  	s5 =	simm.s32 $_size__tile_overlayer_lowered;
	s6 =	simm.s32 $_tile_overlayer_lowered  }
0x9b: {  	s22 =	simm.s32 $0x1BFF;
	s21 =	sshll.u32 s6, $0x1;
	s3 =	sadd.s32 s4, s19  }
0x9c: {  	s7 =	simm.s32 $0x0;
	s20 =	sshll.u32 s5, $0x1;
	s5 =	sadd.s32 s21, s3  }
0x9d: {  	[timem:s7], [sflag:s22] =	dma.local [hbm:s5], s20  }
0x9e: {  	_ =	swait.ge [sflag:s22], s20  }
0x9f: {  	s4 =	ssub.s32 $0x0, s20;
	[sflag:s22] =	ssyncset.done $0x0  }
0xa0: {  	[sflag:s22] =	ssyncadd.s32 s4;
	_ =	sdelay $0x1  }
0xa1: {  	s23 =	simm.s32 $0x1B8B  }
0xa2: {  	_ =	swait.ge [sflag:s23], $0x1  }
0xa3: {  	[sflag:s23] =	ssyncset.done $0x0  }
0xa4: {  	s25 =	simm.s32 $0x1B8E;
	s24 =	sld [smem:$0x3FFE];
	[sflag:s23] =	ssyncadd.s32 $0xFFFFFFFF  }
0xa5: {  	s26 =	simm.s32 $execute0_lowered;
	[smem:$0x3FD2] =	sst s25  }
0xa6: {  	s5 =	sshll.u32 s26, $0x1;
	_ =	strace $0x80000049;
	[dreg:$0x1] =	wrdreg $0xFFFFFFFF  }
0xa7: {  	s28 =	simm.s32 $_size_execute0_lowered;
	s3 =	sadd.s32 s3, s5;
	[dreg:$0x0] =	wrdreg $0x0  }
0xa8: {  	s5 =	sshll.u32 s28, $0x1;
	[dreg:$0x2] =	wrdreg s3  }
0xa9: {  	[dreg:$0x3] =	wrdreg s5  }
0xaa: {  	[dreg:$0x4] =	wrdreg $0xC0  }
0xab: {  	_ =	task [dreg:s7], $0x5FFFF  }
0xac: {  	[dreg:$0x1] =	wrdreg $0xFFFFFFFF  }
0xad: {  	[dreg:$0x0] =	wrdreg $0x60  }
0xae: {  	[dreg:$0x2] =	wrdreg s24  }
0xaf: {  	[dreg:$0x3] =	wrdreg s2  }
0xb0: {  	[dreg:$0x4] =	wrdreg $0x9  }
0xb1: {  	_ =	task.clear_ibuf [dreg:s7], $0x5FFFF;
	_ =	strace $0x90000049  }
0xb2: {  	s29 =	simm.s32 $0x9;
	_ =	strace $0x8000004B  }
0xb3: {  	_ =	swait.ge [sflag:s29], $0x1  }
0xb4: {  	[sflag:s29] =	ssyncadd.s32 $0xFFFFFFFF  }
0xb5: {  	_ =	strace $0x9000004B  }
0xb6: {  	_ =	sfence  }
0xb7: {  	s30 =	sld [smem:$0x0];
	_ =	sdelay $0x2  }
0xb8: {  	s31 =	sshll.u32 s1, $0xD;
	s1 =	sshrl.u32 s1, $0x2  }
0xb9: {  	s3 =	sand.u32 $0x4000, s31;
	s1 =	sadd.s32 s1, s30  }
0xba: {  	s0 =	sor.u32 s3, s0;
	s1 =	sshll.u32 s1, $0x11  }
0xbb: {  	s0 =	sor.u32 s1, s0  }
0xbc: {  	s0 =	sadd.s32 $0x8F2B, s0  }
0xbd: {  	[sflag:s0] =	ssyncadd.remote.s32 $0x1  }
0xbe: {  	_ =	sfence.sel $0xFFFF  }
0xbf: {  	[dreg:$0x0] =	wrdreg $0xFFFFFFFF;
	(pc) =	sbr.abs _section_cstart, $3  }
0xc0: {  	[dreg:$0x1] =	wrdreg $0xFFFFFFFF  }
0xc1: {  	_ =	task.clear_ibuf [dreg:s7], $0x2FFFF;
	_ =	strace $0x9FFFFFFF  }
0xc2: {  	(tm) =	ssettm $0x7FFFFFFF  }
0xc3: {  	_ =	shalt  }
tec
execute0_lowered:
.L_overlay_start_1:
0x0: {  	(tag) =	ssettag $0x1  }
0x1: {  	s11 =	rddreg [dreg:$0x0]  }
0x2: {  	s4 =	srdreg.scid;
	s1 =	stileid.u32  }
0x3: {  	s3 =	rddreg [dreg:$0x1];
	s9 =	sand.u32 $0x1, s4;
	s30 =	sshll.u32 s1, $0x1  }
0x4: {  	s0 =	rddreg [dreg:$0x2];
	s2 =	simm.s32 $0x0;
	s12 =	sor.u32 s9, s30  }
0x5: {  	s5 =	simm.s32 $0x8000;
	[smem:$0x7FF] =	sst s2;
	s4 =	sshll.u32 s12, $0x5  }
0x6: {  	_ =	strace $0x8000004A;
	s3 =	sadd.s32 s3, s4;
	s4 =	simm.s32 $0x2  }
0x7: {  	[tilespmem:s5], [sflag:$0x2] =	stream.linear.gather [hbm4b:s3+s2], $0x100, $0x38;
	[tilespmem:$0x8100] =	vst v63  }
0x8: {  	s7 =	simm.s32 $0x80;
	_ =	swait.ge [sflag:s4], $0x100  }
0x9: {  	s8 =	simm.s32 $0x1;
	s10 =	simm.s32 $0x4000;
	[sflag:s4] =	ssyncset.done $0x0  }
0xa: {  	s6 =	sadd.s32 $0x2400, s11;
	s13 =	ssub.s32 $0x2, s9;
	[sflag:s4] =	ssyncadd.s32 $0xFFFFFF00  }
0xb: {  	[tilespmem:s2], [sflag:$0x1] =	stream.indirect.gather [hbm4b:s6+s7], $0x80, s5, s7, $0xb8;
	[tilespmem:$0x8100] =	vst v63  }
0xc: {  	s9 =	simm.s32 $0x8080;
	s14 =	sshrl.u32 s13, $0x1;
	_ =	swait.ge [sflag:s8], $0x4000  }
0xd: {  	s12 =	sshll.u32 s12, $0xC;
	s31 =	ssub.s32 s13, s14;
	[sflag:s8] =	ssyncset.done $0x0  }
0xe: {  	s11 =	sadd.s32 s12, s11;
	s12 =	smax.u32 s31, $0x1;
	[sflag:s8] =	ssyncadd.s32 $0xFFFFC000  }
0xf: {  	[tilespmem:s10], [sflag:$0x1] =	stream.indirect.gather [hbm4b:s6+s7], $0x80, s9, s7, $0xb8;
	[tilespmem:$0x8100] =	vst v63  }
0x10: {  	p0 =	sne.s32 s12, $0x1;
	_ =	swait.ge [sflag:s8], $0x4000  }
.Ltmp0:
0x11: {  	[sflag:s8] =	ssyncset.done $0x0;
	(pc) =	sbr.rel @!p0 .LBB2_2-.Ltmp0, $4  }
0x12: {  	s11 =	sadd.s32 $0x23400, s11;
	[sflag:s8] =	ssyncadd.s32 $0xFFFFC000  }
0x13: {  	[hbm4b:s11+s2] =	stream.linear.scatter [tilespmem:s2], [sflag:$0x2], $0x8000, $0x38;
	[tilespmem:$0x8100] =	vst v63  }
0x14: {  	_ =	swait.ge [sflag:s4], $0x8000  }
0x15: {  	s12 =	sadd.s32 $0xFFFFFFFF, s12;
	[sflag:s4] =	ssyncset.done $0x0  }
.LBB2_1:
0x16: {  	p0 =	sne.s32 s12, $0x1;
	s12 =	sadd.s32 $0xFFFFFFFF, s12;
	[sflag:s4] =	ssyncadd.s32 $0xFFFF8000  }
0x17: {  	[tilespmem:s5], [sflag:$0x2] =	stream.linear.gather [hbm4b:s3+s2], $0x100, $0x38;
	[tilespmem:$0x8100] =	vst v63  }
0x18: {  	_ =	swait.ge [sflag:s4], $0x100  }
0x19: {  	[sflag:s4] =	ssyncset.done $0x0  }
0x1a: {  	[sflag:s4] =	ssyncadd.s32 $0xFFFFFF00  }
0x1b: {  	[tilespmem:s2], [sflag:$0x1] =	stream.indirect.gather [hbm4b:s6+s7], $0x80, s5, s7, $0xb8;
	[tilespmem:$0x8100] =	vst v63  }
0x1c: {  	_ =	swait.ge [sflag:s8], $0x4000  }
0x1d: {  	[sflag:s8] =	ssyncset.done $0x0  }
0x1e: {  	[sflag:s8] =	ssyncadd.s32 $0xFFFFC000  }
0x1f: {  	[tilespmem:s10], [sflag:$0x1] =	stream.indirect.gather [hbm4b:s6+s7], $0x80, s9, s7, $0xb8;
	[tilespmem:$0x8100] =	vst v63  }
0x20: {  	_ =	swait.ge [sflag:s8], $0x4000  }
.Ltmp1:
0x21: {  	[sflag:s8] =	ssyncset.done $0x0;
	(pc) =	sbr.rel @p0 .LBB2_1-.Ltmp1, $4  }
0x22: {  	[sflag:s8] =	ssyncadd.s32 $0xFFFFC000  }
0x23: {  	[hbm4b:s11+s2] =	stream.linear.scatter [tilespmem:s2], [sflag:$0x2], $0x8000, $0x38;
	[tilespmem:$0x8100] =	vst v63  }
0x24: {  	_ =	swait.ge [sflag:s4], $0x8000  }
0x25: {  	[sflag:s4] =	ssyncset.done $0x0  }
.LBB2_2:
0x26: {  	[sflag:s4] =	ssyncadd.s32 $0xFFFF8000  }
0x27: {  	_ =	sfence.sel $0x180000  }
0x28: {  	[bflag:$0x0] =	sbarrier.arrive $0xFFFF  }
0x29: {  	p0 =	sne.s32 s1, $0x0;
	_ =	strace $0x9000004A  }
0x2a: {  	s0 =	sadd.s32 @!p0 $0x100000, s0;
	[bflag:$0x2] =	sbarrier.arrive $0xFFFF  }
0x2b: {  	[sflag:s0] =	ssyncadd.tile.s32 @!p0 $0x1;
	_ =	shalt  }
.Lfunc_end2:
_tile_overlayer_lowered:
.L_overlay_start_2:
0x2c: {  	(tag) =	ssettag $0x2  }
0x2d: {  	s0 =	rddreg [dreg:$0x0];
	s2 =	stileid.u32  }
0x2e: {  	s1 =	rddreg [dreg:$0x1];
	p0 =	sne.s32 s2, $0x0  }
0x2f: {  	s3 =	rddreg [dreg:$0x2];
	[bflag:$0x3] =	sbarrier.arrive $0xFFFF;
	s2 =	simm.s32 @!p0 $0x1C02  }
0x30: {  	[timem:s3], [sflag:s2] =	dma.local @!p0 [hbm:s0], s1  }
0x31: {  	s0 =	simm.s32 @!p0 $0x2  }
0x32: {  	_ =	swait.ge @!p0 [sflag:s0], s1  }
0x33: {  	s1 =	ssub.s32 @!p0 $0x0, s1;
	[sflag:s0] =	ssyncset.done @!p0 $0x0  }
0x34: {  	[sflag:s0] =	ssyncadd.s32 @!p0 s1  }
0x35: {  	[bflag:$0x3] =	sbarrier.arrive $0xFFFF  }
0x36: {  	_ =	shalt  }

</sc_bundles>
